<compile_context>
chip_gen: v7x
topology: tpu7x:2x2x1
jax: 0.10.2.dev20260603
libtpu: 0.0.44.dev20260713+nightly
codegen_flags: <defaults>
</compile_context>

<pallas_src>
import functools

import jax
import jax.numpy as jnp
from jax import lax
from jax.experimental import pallas as pl
from jax.experimental.pallas import tpu as pltpu
from jax.experimental.pallas import tpu_sc as plsc

B, F_, V, D = 4096, 26, 1000, 128
H1, H2 = 1024, 1024
CROSS_DEPTH = 3
FD = F_ * D

_NC, _NS = 2, 16
_NW = _NC * _NS
_CH = 128


def _gather_body(nch, bw, tab, idx, out, idx_v, rows0, rows1, sem0, sem1):
    wid = lax.axis_index("s") * _NC + lax.axis_index("c")
    row0 = pl.multiple_of(wid * bw, 8)
    pltpu.sync_copy(idx.at[wid], idx_v)

    def _start(ci, buf, sem):
        pltpu.async_copy(tab.at[idx_v.at[ci]], buf, sem)

    def _drain(ci, buf, sem):
        pltpu.make_async_copy(tab.at[idx_v.at[ci]], buf, sem).wait()
        col = pl.multiple_of(ci * D, D)
        pltpu.sync_copy(buf, out.at[pl.ds(row0, bw), pl.ds(col, D)])

    bufs = ((rows0, sem0), (rows1, sem1))
    if nch <= 16:
        _start(0, rows0, sem0)
        if nch > 1:
            _start(1, rows1, sem1)
        for ci in range(nch):
            _drain(ci, *bufs[ci % 2])
            if ci + 2 < nch:
                _start(ci + 2, *bufs[ci % 2])
    else:
        assert nch % 2 == 0
        _start(0, rows0, sem0)
        _start(1, rows1, sem1)

        def step(i, carry):
            _drain(2 * i, rows0, sem0)
            _start(2 * i + 2, rows0, sem0)
            _drain(2 * i + 1, rows1, sem1)
            _start(2 * i + 3, rows1, sem1)
            return carry

        lax.fori_loop(0, nch // 2 - 1, step, 0)
        _drain(nch - 2, rows0, sem0)
        _drain(nch - 1, rows1, sem1)


def _gather_body4(nch, bw, tab, idx, out, idx_v, rows0, rows1, rows2, rows3,
                  sem0, sem1, sem2, sem3):
    wid = lax.axis_index("s") * _NC + lax.axis_index("c")
    row0 = pl.multiple_of(wid * bw, 8)
    pltpu.sync_copy(idx.at[wid], idx_v)

    def _start(ci, buf, sem):
        pltpu.async_copy(tab.at[idx_v.at[ci]], buf, sem)

    def _drain(ci, buf, sem):
        pltpu.make_async_copy(tab.at[idx_v.at[ci]], buf, sem).wait()
        col = pl.multiple_of(ci * D, D)
        pltpu.sync_copy(buf, out.at[pl.ds(row0, bw), pl.ds(col, D)])

    bufs = ((rows0, sem0), (rows1, sem1), (rows2, sem2), (rows3, sem3))
    for b in range(4):
        _start(b, *bufs[b])

    def step(i, carry):
        for b in range(4):
            _drain(4 * i + b, *bufs[b])
            _start(4 * i + b + 4, *bufs[b])
        return carry

    ngrp = (nch - 6) // 4
    lax.fori_loop(0, ngrp, step, 0)
    base = 4 * ngrp
    _drain(base + 0, *bufs[0])
    _start(nch - 2, *bufs[0])
    _drain(base + 1, *bufs[1])
    _start(nch - 1, *bufs[1])
    _drain(base + 2, *bufs[2])
    _drain(base + 3, *bufs[3])
    _drain(nch - 2, *bufs[0])
    _drain(nch - 1, *bufs[1])


def _sc_gather(tables_flat, gidx3d):
    nw, nch, bw = gidx3d.shape
    mesh = plsc.VectorSubcoreMesh(core_axis_name="c", subcore_axis_name="s")
    if nch > 16 and nch % 4 == 2:
        body, nbuf = functools.partial(_gather_body4, nch, bw), 4
    else:
        body, nbuf = functools.partial(_gather_body, nch, bw), 2
    k = functools.partial(
        pl.kernel,
        mesh=mesh,
        out_type=jax.ShapeDtypeStruct((nw * bw, nch * D), jnp.float32),
        scratch_types=(
            [pltpu.VMEM((nch, bw), jnp.int32)]
            + [pltpu.VMEM((bw, D), jnp.float32)] * nbuf
            + [pltpu.SemaphoreType.DMA] * nbuf
        ),
    )(body)
    return k(tables_flat, gidx3d)


def _tc_body(emb_ref, xv_ref, e_ref, p_ref, uc_ref, w1_ref, b1_ref,
             w2_ref, b2_ref, wlb_ref, bl_ref, out_ref):
    xv = xv_ref[...]
    xv_hi = xv.astype(jnp.bfloat16)
    xv_lo = (xv - xv_hi.astype(jnp.float32)).astype(jnp.bfloat16)
    e = e_ref[...]
    xv_wide = (jnp.dot(xv_hi, e, preferred_element_type=jnp.float32)
               + jnp.dot(xv_lo, e, preferred_element_type=jnp.float32))
    x0 = emb_ref[...] * xv_wide
    a = jnp.sum(x0 * x0, axis=1, keepdims=True)
    t = jnp.dot(x0, p_ref[...], preferred_element_type=jnp.float32)
    p0 = t[:, 0:1]
    p1 = t[:, 1:2]
    q0 = t[:, 2:3]
    q1 = t[:, 3:4]
    r0 = t[:, 4:5]
    s0 = a
    s1 = s0 * p0 + q0 + a
    s2 = s1 * p1 + q1 + s1
    uc = uc_ref[...]
    cross = (r0 + s0 * uc[:, 0:1] + s1 * uc[:, 1:2] + s2 * uc[:, 2:3]
             + uc[:, 3:4])
    h = jnp.dot(x0, w1_ref[...], preferred_element_type=jnp.float32)
    h = jnp.maximum(h + b1_ref[...], 0.0)
    h = jnp.dot(h, w2_ref[...], preferred_element_type=jnp.float32)
    h = jnp.maximum(h + b2_ref[...], 0.0)
    out = (cross
           + jnp.sum(h * wlb_ref[...], axis=1, keepdims=True)
           + bl_ref[...])
    out_ref[...] = out[:, 0]


def _tc_dcn(emb2d, Xv, E, P, uc, W1, b1, W2, b2, wlb, bl2,
            bm=512, interpret=False):
    nb = emb2d.shape[0]
    nblk = nb // bm
    full = lambda shape: pl.BlockSpec(shape, lambda i: (0, 0))
    out = pl.pallas_call(
        _tc_body,
        grid=(nblk,),
        in_specs=[
            pl.BlockSpec((bm, FD), lambda i: (i, 0)),
            pl.BlockSpec((bm, F_), lambda i: (i, 0)),
            full((F_, FD)),
            full((FD, 8)),
            full((1, 8)),
            full((FD, H1)),
            full((1, H1)),
            full((H1, H2)),
            full((1, H2)),
            full((1, H2)),
            full((1, 1)),
        ],
        out_specs=pl.BlockSpec((bm,), lambda i: (i,)),
        out_shape=jax.ShapeDtypeStruct((nb,), jnp.float32),
        compiler_params=pltpu.CompilerParams(
            dimension_semantics=("arbitrary",),
        ),
        interpret=interpret,
    )(emb2d, Xv, E, P, uc, W1, b1, W2, b2, wlb, bl2)
    return out


def kernel(Xi, Xv, tables, cross_w, cross_b, W1, b1, W2, b2, Wl, bl):
    tables_flat = tables.reshape(F_ * V, D)
    gidx = (Xi[:, :, 0].astype(jnp.int32)
            + (jnp.arange(F_, dtype=jnp.int32) * V)[None, :])

    E = jnp.kron(jnp.eye(F_, dtype=jnp.bfloat16),
                 jnp.ones((1, D), dtype=jnp.bfloat16))
    wlt = Wl[:FD, 0]
    wlb = Wl[FD:, 0][None, :]
    bl2 = bl.reshape(1, 1)
    P = jnp.stack([cross_w[0], cross_w[1], cross_b[0], cross_b[1], wlt,
                   jnp.zeros_like(wlt), jnp.zeros_like(wlt),
                   jnp.zeros_like(wlt)], axis=1)
    u = jnp.sum(cross_w * wlt[None, :], axis=1)
    c = jnp.sum(cross_b * wlt[None, :])
    uc = jnp.concatenate([u, c[None], jnp.zeros((4,), jnp.float32)]
                         ).reshape(1, 8)

    bw = B // _NW
    gidx3d = gidx.reshape(_NW, bw, F_).transpose(0, 2, 1)
    emb = _sc_gather(tables_flat, gidx3d)
    return _tc_dcn(emb, Xv, E, P, uc, W1, b1.reshape(1, H1),
                   W2, b2.reshape(1, H2), wlb, bl2)

# --- scband reference (transcript-rebuilt; emitter-appended) ---
"""Pipeline reference for scband-dcn-19576460935806 (READ-ONLY COPY).

The authoritative reference and input builder live on the scoring server;
editing this copy changes nothing except your own understanding.
"""

import jax, jax.numpy as jnp
import numpy as np

B, F_, V, D = 4096, 26, 1000, 128
H1, H2 = 1024, 1024
CROSS_DEPTH = 3


def setup_inputs(seed: int = 0) -> dict:
    key = jax.random.key(seed)
    ks = jax.random.split(key, 12)
    Xi = jax.random.randint(ks[0], (B, F_, 1), 0, V, dtype=jnp.int64 if jax.config.jax_enable_x64 else jnp.int32)
    Xv = jax.random.uniform(ks[1], (B, F_), dtype=jnp.float32)
    tables = jax.random.normal(ks[2], (F_, V, D), dtype=jnp.float32) * 0.05
    cross_w = jax.random.normal(ks[3], (CROSS_DEPTH, F_ * D), dtype=jnp.float32) * 0.05
    cross_b = jax.random.normal(ks[4], (CROSS_DEPTH, F_ * D), dtype=jnp.float32) * 0.05
    W1 = jax.random.normal(ks[5], (F_ * D, H1), dtype=jnp.float32) * 0.02
    b1 = jnp.zeros((H1,), dtype=jnp.float32)
    W2 = jax.random.normal(ks[6], (H1, H2), dtype=jnp.float32) * 0.02
    b2 = jnp.zeros((H2,), dtype=jnp.float32)
    Wl = jax.random.normal(ks[7], (F_ * D + H2, 1), dtype=jnp.float32) * 0.02
    bl = jnp.zeros((1,), dtype=jnp.float32)
    return {"Xi": Xi, "Xv": Xv, "tables": tables, "cross_w": cross_w, "cross_b": cross_b,
            "W1": W1, "b1": b1, "W2": W2, "b2": b2, "Wl": Wl, "bl": bl}


def reference(Xi, Xv, tables, cross_w, cross_b, W1, b1, W2, b2, Wl, bl):
    # per-field embedding lookup: Xi[:, i, :] has length-1 inner dim; sum over it == plain lookup
    idx = Xi[:, :, 0]  # [B, F]
    field_ids = jnp.arange(F_)[None, :]  # [1, F]
    emb = tables[field_ids, idx]  # gather -> [B, F, D]
    emb = emb * Xv[:, :, None]  # scale each field embedding by Xv[:, i]
    x0 = emb.reshape(emb.shape[0], -1)  # [B, F*D]
    # cross network
    xl = x0
    for i in range(CROSS_DEPTH):
        xl = jnp.sum(x0 * xl, axis=1, keepdims=True) * cross_w[i][None, :] + cross_b[i][None, :] + xl
    # deep network (relu activation, no dropout, no batchnorm)
    xd = jax.nn.relu(x0 @ W1 + b1)
    xd = jax.nn.relu(xd @ W2 + b2)
    out = jnp.concatenate([xl, xd], axis=1) @ Wl + bl  # [B, 1]
    return jnp.sum(out, axis=1)  # [B]

if __name__ == "__main__":
    import jax
    _d = setup_inputs()
    print(jax.jit(kernel)(*tuple(_d.values())))

</pallas_src>

<mosaic_0001>
#map = affine_map<(d0, d1) -> (0, 0)>
#map1 = affine_map<(d0, d1) -> (0, 0, 0)>
module attributes {stable_mosaic.version = 14 : i64} {
  func.func @_gather_body4(%arg0: i32, %arg1: i32, %arg2: memref<26000x128xf32, #tpu.memory_space<hbm>>, %arg3: memref<32x26x128xi32, #tpu.memory_space<hbm>>, %arg4: memref<4096x3328xf32, #tpu.memory_space<hbm>>, %arg5: memref<26x128xi32, #tpu.memory_space<vmem>>, %arg6: memref<128x128xf32, #tpu.memory_space<vmem>>, %arg7: memref<128x128xf32, #tpu.memory_space<vmem>>, %arg8: memref<128x128xf32, #tpu.memory_space<vmem>>, %arg9: memref<128x128xf32, #tpu.memory_space<vmem>>, %arg10: memref<!tpu.dma_semaphore, #tpu.memory_space<semaphore_mem>>, %arg11: memref<!tpu.dma_semaphore, #tpu.memory_space<semaphore_mem>>, %arg12: memref<!tpu.dma_semaphore, #tpu.memory_space<semaphore_mem>>, %arg13: memref<!tpu.dma_semaphore, #tpu.memory_space<semaphore_mem>>) attributes {dimension_semantics = [#tpu.dimension_semantics<core_parallel>, #tpu.dimension_semantics<subcore_parallel>], iteration_bounds = array<i64: 2, 16>, scalar_prefetch = 0 : i64, scratch_operands = 9 : i64, tpu.core_type = #tpu.core_type<sc_vector_subcore>, window_params = [{transform_indices = #map}, {transform_indices = #map1}, {transform_indices = #map}]} {
    %mul3A = arith.constant 2 : i32
    %mul3A_0 = arith.muli %arg1, %mul3A : i32
    %add3A = arith.addi %mul3A_0, %arg0 : i32
    %mul3A_1 = arith.constant 128 : i32
    %mul3A_2 = arith.muli %add3A, %mul3A_1 : i32
    %multiple_of3A = tpu.assume_multiple %mul3A_2, 8 : i32
    "tpu.region"() ({
      %run_scoped3A = tpu.sem_alloc : memref<!tpu.dma_semaphore, #tpu.memory_space<semaphore_mem>>
      %dma_start3A_102 = arith.constant 0 : i32
      %dma_start3A_103 = arith.constant 0 : i32
      %dma_start3A_104 = tpu.memref_slice %arg3[%add3A, %dma_start3A_102, %dma_start3A_103] : memref<32x26x128xi32, #tpu.memory_space<hbm>> -> memref<1x26x128xi32, #tpu.memory_space<hbm>>
      %dma_start3A_105 = tpu.memref_squeeze %dma_start3A_104 : memref<1x26x128xi32, #tpu.memory_space<hbm>> -> memref<26x128xi32, #tpu.memory_space<hbm>>
      %dma_start3A_106 = arith.constant 0 : i32
      %dma_start3A_107 = arith.constant 0 : i32
      %dma_start3A_108 = tpu.memref_slice %arg3[%add3A, %dma_start3A_106, %dma_start3A_107] : memref<32x26x128xi32, #tpu.memory_space<hbm>> -> memref<1x26x128xi32, #tpu.memory_space<hbm>>
      %dma_start3A_109 = tpu.memref_squeeze %dma_start3A_108 : memref<1x26x128xi32, #tpu.memory_space<hbm>> -> memref<26x128xi32, #tpu.memory_space<hbm>>
      tpu.enqueue_dma source(%dma_start3A_109 : memref<26x128xi32, #tpu.memory_space<hbm>>) target(%arg5 : memref<26x128xi32, #tpu.memory_space<vmem>>) target_semaphore(%run_scoped3A : memref<!tpu.dma_semaphore, #tpu.memory_space<semaphore_mem>>)
      %dma_wait3A_110 = arith.constant 0 : i32
      %dma_wait3A_111 = arith.constant 0 : i32
      %dma_wait3A_112 = tpu.memref_slice %arg3[%add3A, %dma_wait3A_110, %dma_wait3A_111] : memref<32x26x128xi32, #tpu.memory_space<hbm>> -> memref<1x26x128xi32, #tpu.memory_space<hbm>>
      %dma_wait3A_113 = tpu.memref_squeeze %dma_wait3A_112 : memref<1x26x128xi32, #tpu.memory_space<hbm>> -> memref<26x128xi32, #tpu.memory_space<hbm>>
      %dma_wait3A_114 = arith.constant 0 : i32
      %dma_wait3A_115 = arith.constant 0 : i32
      %dma_wait3A_116 = tpu.memref_slice %arg3[%add3A, %dma_wait3A_114, %dma_wait3A_115] : memref<32x26x128xi32, #tpu.memory_space<hbm>> -> memref<1x26x128xi32, #tpu.memory_space<hbm>>
      %dma_wait3A_117 = tpu.memref_squeeze %dma_wait3A_116 : memref<1x26x128xi32, #tpu.memory_space<hbm>> -> memref<26x128xi32, #tpu.memory_space<hbm>>
      tpu.wait_dma2 semaphore(%run_scoped3A : memref<!tpu.dma_semaphore, #tpu.memory_space<semaphore_mem>>) src(%dma_wait3A_117 : memref<26x128xi32, #tpu.memory_space<hbm>>) dst(%arg5 : memref<26x128xi32, #tpu.memory_space<vmem>>)
      tpu.yield
    }) : () -> ()
    %dma_start3A = arith.constant 0 : i32
    %dma_start3A_3 = arith.constant 0 : i32
    %dma_start3A_4 = tpu.memref_slice %arg5[%dma_start3A, %dma_start3A_3] : memref<26x128xi32, #tpu.memory_space<vmem>> -> memref<1x128xi32, #tpu.memory_space<vmem>>
    %dma_start3A_5 = tpu.memref_squeeze %dma_start3A_4 : memref<1x128xi32, #tpu.memory_space<vmem>> -> memref<128xi32, #tpu.memory_space<vmem>>
    %dma_start3A_6 = arith.constant 0 : i32
    %dma_start3A_7 = arith.constant 0 : i32
    %dma_start3A_8 = tpu.memref_slice %arg2[%dma_start3A_6, %dma_start3A_7] : memref<26000x128xf32, #tpu.memory_space<hbm>> -> memref<26000x128xf32, #tpu.memory_space<hbm>>
    tpu.enqueue_indirect_dma source(%dma_start3A_8 : memref<26000x128xf32, #tpu.memory_space<hbm>>) target(%arg6 : memref<128x128xf32, #tpu.memory_space<vmem>>) offsets(%dma_start3A_5 : memref<128xi32, #tpu.memory_space<vmem>>) semaphore(%arg10 : memref<!tpu.dma_semaphore, #tpu.memory_space<semaphore_mem>>)
    %dma_start3A_9 = arith.constant 1 : i32
    %dma_start3A_10 = arith.constant 0 : i32
    %dma_start3A_11 = tpu.memref_slice %arg5[%dma_start3A_9, %dma_start3A_10] : memref<26x128xi32, #tpu.memory_space<vmem>> -> memref<1x128xi32, #tpu.memory_space<vmem>>
    %dma_start3A_12 = tpu.memref_squeeze %dma_start3A_11 : memref<1x128xi32, #tpu.memory_space<vmem>> -> memref<128xi32, #tpu.memory_space<vmem>>
    %dma_start3A_13 = arith.constant 0 : i32
    %dma_start3A_14 = arith.constant 0 : i32
    %dma_start3A_15 = tpu.memref_slice %arg2[%dma_start3A_13, %dma_start3A_14] : memref<26000x128xf32, #tpu.memory_space<hbm>> -> memref<26000x128xf32, #tpu.memory_space<hbm>>
    tpu.enqueue_indirect_dma source(%dma_start3A_15 : memref<26000x128xf32, #tpu.memory_space<hbm>>) target(%arg7 : memref<128x128xf32, #tpu.memory_space<vmem>>) offsets(%dma_start3A_12 : memref<128xi32, #tpu.memory_space<vmem>>) semaphore(%arg11 : memref<!tpu.dma_semaphore, #tpu.memory_space<semaphore_mem>>)
    %dma_start3A_16 = arith.constant 2 : i32
    %dma_start3A_17 = arith.constant 0 : i32
    %dma_start3A_18 = tpu.memref_slice %arg5[%dma_start3A_16, %dma_start3A_17] : memref<26x128xi32, #tpu.memory_space<vmem>> -> memref<1x128xi32, #tpu.memory_space<vmem>>
    %dma_start3A_19 = tpu.memref_squeeze %dma_start3A_18 : memref<1x128xi32, #tpu.memory_space<vmem>> -> memref<128xi32, #tpu.memory_space<vmem>>
    %dma_start3A_20 = arith.constant 0 : i32
    %dma_start3A_21 = arith.constant 0 : i32
    %dma_start3A_22 = tpu.memref_slice %arg2[%dma_start3A_20, %dma_start3A_21] : memref<26000x128xf32, #tpu.memory_space<hbm>> -> memref<26000x128xf32, #tpu.memory_space<hbm>>
    tpu.enqueue_indirect_dma source(%dma_start3A_22 : memref<26000x128xf32, #tpu.memory_space<hbm>>) target(%arg8 : memref<128x128xf32, #tpu.memory_space<vmem>>) offsets(%dma_start3A_19 : memref<128xi32, #tpu.memory_space<vmem>>) semaphore(%arg12 : memref<!tpu.dma_semaphore, #tpu.memory_space<semaphore_mem>>)
    %dma_start3A_23 = arith.constant 3 : i32
    %dma_start3A_24 = arith.constant 0 : i32
    %dma_start3A_25 = tpu.memref_slice %arg5[%dma_start3A_23, %dma_start3A_24] : memref<26x128xi32, #tpu.memory_space<vmem>> -> memref<1x128xi32, #tpu.memory_space<vmem>>
    %dma_start3A_26 = tpu.memref_squeeze %dma_start3A_25 : memref<1x128xi32, #tpu.memory_space<vmem>> -> memref<128xi32, #tpu.memory_space<vmem>>
    %dma_start3A_27 = arith.constant 0 : i32
    %dma_start3A_28 = arith.constant 0 : i32
    %dma_start3A_29 = tpu.memref_slice %arg2[%dma_start3A_27, %dma_start3A_28] : memref<26000x128xf32, #tpu.memory_space<hbm>> -> memref<26000x128xf32, #tpu.memory_space<hbm>>
    tpu.enqueue_indirect_dma source(%dma_start3A_29 : memref<26000x128xf32, #tpu.memory_space<hbm>>) target(%arg9 : memref<128x128xf32, #tpu.memory_space<vmem>>) offsets(%dma_start3A_26 : memref<128xi32, #tpu.memory_space<vmem>>) semaphore(%arg13 : memref<!tpu.dma_semaphore, #tpu.memory_space<semaphore_mem>>)
    %scan3A = arith.constant 0 : i32
    %scan3A_30 = arith.constant 0 : i32
    %scan3A_31 = arith.constant 5 : i32
    %scan3A_32 = arith.addi %scan3A_30, %scan3A_31 : i32
    %scan3A_33 = arith.constant 1 : i32
    scf.for %scan3A_102 = %scan3A_30 to %scan3A_32 step %scan3A_33  : i32 {
      %mul3A_103 = arith.constant 4 : i32
      %mul3A_104 = arith.muli %mul3A_103, %scan3A_102 : i32
      %add3A_105 = arith.constant 0 : i32
      %add3A_106 = arith.addi %mul3A_104, %add3A_105 : i32
      %dma_wait3A_107 = arith.constant 0 : i32
      %dma_wait3A_108 = tpu.memref_slice %arg5[%add3A_106, %dma_wait3A_107] : memref<26x128xi32, #tpu.memory_space<vmem>> -> memref<1x128xi32, #tpu.memory_space<vmem>>
      %dma_wait3A_109 = tpu.memref_squeeze %dma_wait3A_108 : memref<1x128xi32, #tpu.memory_space<vmem>> -> memref<128xi32, #tpu.memory_space<vmem>>
      %dma_wait3A_110 = arith.constant 0 : i32
      %dma_wait3A_111 = arith.constant 0 : i32
      %dma_wait3A_112 = tpu.memref_slice %arg2[%dma_wait3A_110, %dma_wait3A_111] : memref<26000x128xf32, #tpu.memory_space<hbm>> -> memref<26000x128xf32, #tpu.memory_space<hbm>>
      tpu.wait_indirect_dma semaphore(%arg10 : memref<!tpu.dma_semaphore, #tpu.memory_space<semaphore_mem>>) src(%dma_wait3A_112 : memref<26000x128xf32, #tpu.memory_space<hbm>>) dst(%arg6 : memref<128x128xf32, #tpu.memory_space<vmem>>)
      %mul3A_113 = arith.constant 128 : i32
      %mul3A_114 = arith.muli %add3A_106, %mul3A_113 : i32
      %multiple_of3A_115 = tpu.assume_multiple %mul3A_114, 128 : i32
      "tpu.region"() ({
        %run_scoped3A = tpu.sem_alloc : memref<!tpu.dma_semaphore, #tpu.memory_space<semaphore_mem>>
        %dma_start3A_203 = tpu.memref_slice %arg4[%multiple_of3A, %multiple_of3A_115] : memref<4096x3328xf32, #tpu.memory_space<hbm>> -> memref<128x128xf32, #tpu.memory_space<hbm>>
        %dma_start3A_204 = tpu.memref_slice %arg4[%multiple_of3A, %multiple_of3A_115] : memref<4096x3328xf32, #tpu.memory_space<hbm>> -> memref<128x128xf32, #tpu.memory_space<hbm>>
        tpu.enqueue_dma source(%arg6 : memref<128x128xf32, #tpu.memory_space<vmem>>) target(%dma_start3A_204 : memref<128x128xf32, #tpu.memory_space<hbm>>) target_semaphore(%run_scoped3A : memref<!tpu.dma_semaphore, #tpu.memory_space<semaphore_mem>>)
        %dma_wait3A_205 = tpu.memref_slice %arg4[%multiple_of3A, %multiple_of3A_115] : memref<4096x3328xf32, #tpu.memory_space<hbm>> -> memref<128x128xf32, #tpu.memory_space<hbm>>
        %dma_wait3A_206 = tpu.memref_slice %arg4[%multiple_of3A, %multiple_of3A_115] : memref<4096x3328xf32, #tpu.memory_space<hbm>> -> memref<128x128xf32, #tpu.memory_space<hbm>>
        tpu.wait_dma2 semaphore(%run_scoped3A : memref<!tpu.dma_semaphore, #tpu.memory_space<semaphore_mem>>) src(%arg6 : memref<128x128xf32, #tpu.memory_space<vmem>>) dst(%dma_wait3A_206 : memref<128x128xf32, #tpu.memory_space<hbm>>)
        tpu.yield
      }) : () -> ()
      %mul3A_116 = arith.constant 4 : i32
      %mul3A_117 = arith.muli %mul3A_116, %scan3A_102 : i32
      %add3A_118 = arith.constant 0 : i32
      %add3A_119 = arith.addi %mul3A_117, %add3A_118 : i32
      %add3A_120 = arith.constant 4 : i32
      %add3A_121 = arith.addi %add3A_119, %add3A_120 : i32
      %dma_start3A_122 = arith.constant 0 : i32
      %dma_start3A_123 = tpu.memref_slice %arg5[%add3A_121, %dma_start3A_122] : memref<26x128xi32, #tpu.memory_space<vmem>> -> memref<1x128xi32, #tpu.memory_space<vmem>>
      %dma_start3A_124 = tpu.memref_squeeze %dma_start3A_123 : memref<1x128xi32, #tpu.memory_space<vmem>> -> memref<128xi32, #tpu.memory_space<vmem>>
      %dma_start3A_125 = arith.constant 0 : i32
      %dma_start3A_126 = arith.constant 0 : i32
      %dma_start3A_127 = tpu.memref_slice %arg2[%dma_start3A_125, %dma_start3A_126] : memref<26000x128xf32, #tpu.memory_space<hbm>> -> memref<26000x128xf32, #tpu.memory_space<hbm>>
      tpu.enqueue_indirect_dma source(%dma_start3A_127 : memref<26000x128xf32, #tpu.memory_space<hbm>>) target(%arg6 : memref<128x128xf32, #tpu.memory_space<vmem>>) offsets(%dma_start3A_124 : memref<128xi32, #tpu.memory_space<vmem>>) semaphore(%arg10 : memref<!tpu.dma_semaphore, #tpu.memory_space<semaphore_mem>>)
      %mul3A_128 = arith.constant 4 : i32
      %mul3A_129 = arith.muli %mul3A_128, %scan3A_102 : i32
      %add3A_130 = arith.constant 1 : i32
      %add3A_131 = arith.addi %mul3A_129, %add3A_130 : i32
      %dma_wait3A_132 = arith.constant 0 : i32
      %dma_wait3A_133 = tpu.memref_slice %arg5[%add3A_131, %dma_wait3A_132] : memref<26x128xi32, #tpu.memory_space<vmem>> -> memref<1x128xi32, #tpu.memory_space<vmem>>
      %dma_wait3A_134 = tpu.memref_squeeze %dma_wait3A_133 : memref<1x128xi32, #tpu.memory_space<vmem>> -> memref<128xi32, #tpu.memory_space<vmem>>
      %dma_wait3A_135 = arith.constant 0 : i32
      %dma_wait3A_136 = arith.constant 0 : i32
      %dma_wait3A_137 = tpu.memref_slice %arg2[%dma_wait3A_135, %dma_wait3A_136] : memref<26000x128xf32, #tpu.memory_space<hbm>> -> memref<26000x128xf32, #tpu.memory_space<hbm>>
      tpu.wait_indirect_dma semaphore(%arg11 : memref<!tpu.dma_semaphore, #tpu.memory_space<semaphore_mem>>) src(%dma_wait3A_137 : memref<26000x128xf32, #tpu.memory_space<hbm>>) dst(%arg7 : memref<128x128xf32, #tpu.memory_space<vmem>>)
      %mul3A_138 = arith.constant 128 : i32
      %mul3A_139 = arith.muli %add3A_131, %mul3A_138 : i32
      %multiple_of3A_140 = tpu.assume_multiple %mul3A_139, 128 : i32
      "tpu.region"() ({
        %run_scoped3A = tpu.sem_alloc : memref<!tpu.dma_semaphore, #tpu.memory_space<semaphore_mem>>
        %dma_start3A_203 = tpu.memref_slice %arg4[%multiple_of3A, %multiple_of3A_140] : memref<4096x3328xf32, #tpu.memory_space<hbm>> -> memref<128x128xf32, #tpu.memory_space<hbm>>
        %dma_start3A_204 = tpu.memref_slice %arg4[%multiple_of3A, %multiple_of3A_140] : memref<4096x3328xf32, #tpu.memory_space<hbm>> -> memref<128x128xf32, #tpu.memory_space<hbm>>
        tpu.enqueue_dma source(%arg7 : memref<128x128xf32, #tpu.memory_space<vmem>>) target(%dma_start3A_204 : memref<128x128xf32, #tpu.memory_space<hbm>>) target_semaphore(%run_scoped3A : memref<!tpu.dma_semaphore, #tpu.memory_space<semaphore_mem>>)
        %dma_wait3A_205 = tpu.memref_slice %arg4[%multiple_of3A, %multiple_of3A_140] : memref<4096x3328xf32, #tpu.memory_space<hbm>> -> memref<128x128xf32, #tpu.memory_space<hbm>>
        %dma_wait3A_206 = tpu.memref_slice %arg4[%multiple_of3A, %multiple_of3A_140] : memref<4096x3328xf32, #tpu.memory_space<hbm>> -> memref<128x128xf32, #tpu.memory_space<hbm>>
        tpu.wait_dma2 semaphore(%run_scoped3A : memref<!tpu.dma_semaphore, #tpu.memory_space<semaphore_mem>>) src(%arg7 : memref<128x128xf32, #tpu.memory_space<vmem>>) dst(%dma_wait3A_206 : memref<128x128xf32, #tpu.memory_space<hbm>>)
        tpu.yield
      }) : () -> ()
      %mul3A_141 = arith.constant 4 : i32
      %mul3A_142 = arith.muli %mul3A_141, %scan3A_102 : i32
      %add3A_143 = arith.constant 1 : i32
      %add3A_144 = arith.addi %mul3A_142, %add3A_143 : i32
      %add3A_145 = arith.constant 4 : i32
      %add3A_146 = arith.addi %add3A_144, %add3A_145 : i32
      %dma_start3A_147 = arith.constant 0 : i32
      %dma_start3A_148 = tpu.memref_slice %arg5[%add3A_146, %dma_start3A_147] : memref<26x128xi32, #tpu.memory_space<vmem>> -> memref<1x128xi32, #tpu.memory_space<vmem>>
      %dma_start3A_149 = tpu.memref_squeeze %dma_start3A_148 : memref<1x128xi32, #tpu.memory_space<vmem>> -> memref<128xi32, #tpu.memory_space<vmem>>
      %dma_start3A_150 = arith.constant 0 : i32
      %dma_start3A_151 = arith.constant 0 : i32
      %dma_start3A_152 = tpu.memref_slice %arg2[%dma_start3A_150, %dma_start3A_151] : memref<26000x128xf32, #tpu.memory_space<hbm>> -> memref<26000x128xf32, #tpu.memory_space<hbm>>
      tpu.enqueue_indirect_dma source(%dma_start3A_152 : memref<26000x128xf32, #tpu.memory_space<hbm>>) target(%arg7 : memref<128x128xf32, #tpu.memory_space<vmem>>) offsets(%dma_start3A_149 : memref<128xi32, #tpu.memory_space<vmem>>) semaphore(%arg11 : memref<!tpu.dma_semaphore, #tpu.memory_space<semaphore_mem>>)
      %mul3A_153 = arith.constant 4 : i32
      %mul3A_154 = arith.muli %mul3A_153, %scan3A_102 : i32
      %add3A_155 = arith.constant 2 : i32
      %add3A_156 = arith.addi %mul3A_154, %add3A_155 : i32
      %dma_wait3A_157 = arith.constant 0 : i32
      %dma_wait3A_158 = tpu.memref_slice %arg5[%add3A_156, %dma_wait3A_157] : memref<26x128xi32, #tpu.memory_space<vmem>> -> memref<1x128xi32, #tpu.memory_space<vmem>>
      %dma_wait3A_159 = tpu.memref_squeeze %dma_wait3A_158 : memref<1x128xi32, #tpu.memory_space<vmem>> -> memref<128xi32, #tpu.memory_space<vmem>>
      %dma_wait3A_160 = arith.constant 0 : i32
      %dma_wait3A_161 = arith.constant 0 : i32
      %dma_wait3A_162 = tpu.memref_slice %arg2[%dma_wait3A_160, %dma_wait3A_161] : memref<26000x128xf32, #tpu.memory_space<hbm>> -> memref<26000x128xf32, #tpu.memory_space<hbm>>
      tpu.wait_indirect_dma semaphore(%arg12 : memref<!tpu.dma_semaphore, #tpu.memory_space<semaphore_mem>>) src(%dma_wait3A_162 : memref<26000x128xf32, #tpu.memory_space<hbm>>) dst(%arg8 : memref<128x128xf32, #tpu.memory_space<vmem>>)
      %mul3A_163 = arith.constant 128 : i32
      %mul3A_164 = arith.muli %add3A_156, %mul3A_163 : i32
      %multiple_of3A_165 = tpu.assume_multiple %mul3A_164, 128 : i32
      "tpu.region"() ({
        %run_scoped3A = tpu.sem_alloc : memref<!tpu.dma_semaphore, #tpu.memory_space<semaphore_mem>>
        %dma_start3A_203 = tpu.memref_slice %arg4[%multiple_of3A, %multiple_of3A_165] : memref<4096x3328xf32, #tpu.memory_space<hbm>> -> memref<128x128xf32, #tpu.memory_space<hbm>>
        %dma_start3A_204 = tpu.memref_slice %arg4[%multiple_of3A, %multiple_of3A_165] : memref<4096x3328xf32, #tpu.memory_space<hbm>> -> memref<128x128xf32, #tpu.memory_space<hbm>>
        tpu.enqueue_dma source(%arg8 : memref<128x128xf32, #tpu.memory_space<vmem>>) target(%dma_start3A_204 : memref<128x128xf32, #tpu.memory_space<hbm>>) target_semaphore(%run_scoped3A : memref<!tpu.dma_semaphore, #tpu.memory_space<semaphore_mem>>)
        %dma_wait3A_205 = tpu.memref_slice %arg4[%multiple_of3A, %multiple_of3A_165] : memref<4096x3328xf32, #tpu.memory_space<hbm>> -> memref<128x128xf32, #tpu.memory_space<hbm>>
        %dma_wait3A_206 = tpu.memref_slice %arg4[%multiple_of3A, %multiple_of3A_165] : memref<4096x3328xf32, #tpu.memory_space<hbm>> -> memref<128x128xf32, #tpu.memory_space<hbm>>
        tpu.wait_dma2 semaphore(%run_scoped3A : memref<!tpu.dma_semaphore, #tpu.memory_space<semaphore_mem>>) src(%arg8 : memref<128x128xf32, #tpu.memory_space<vmem>>) dst(%dma_wait3A_206 : memref<128x128xf32, #tpu.memory_space<hbm>>)
        tpu.yield
      }) : () -> ()
      %mul3A_166 = arith.constant 4 : i32
      %mul3A_167 = arith.muli %mul3A_166, %scan3A_102 : i32
      %add3A_168 = arith.constant 2 : i32
      %add3A_169 = arith.addi %mul3A_167, %add3A_168 : i32
      %add3A_170 = arith.constant 4 : i32
      %add3A_171 = arith.addi %add3A_169, %add3A_170 : i32
      %dma_start3A_172 = arith.constant 0 : i32
      %dma_start3A_173 = tpu.memref_slice %arg5[%add3A_171, %dma_start3A_172] : memref<26x128xi32, #tpu.memory_space<vmem>> -> memref<1x128xi32, #tpu.memory_space<vmem>>
      %dma_start3A_174 = tpu.memref_squeeze %dma_start3A_173 : memref<1x128xi32, #tpu.memory_space<vmem>> -> memref<128xi32, #tpu.memory_space<vmem>>
      %dma_start3A_175 = arith.constant 0 : i32
      %dma_start3A_176 = arith.constant 0 : i32
      %dma_start3A_177 = tpu.memref_slice %arg2[%dma_start3A_175, %dma_start3A_176] : memref<26000x128xf32, #tpu.memory_space<hbm>> -> memref<26000x128xf32, #tpu.memory_space<hbm>>
      tpu.enqueue_indirect_dma source(%dma_start3A_177 : memref<26000x128xf32, #tpu.memory_space<hbm>>) target(%arg8 : memref<128x128xf32, #tpu.memory_space<vmem>>) offsets(%dma_start3A_174 : memref<128xi32, #tpu.memory_space<vmem>>) semaphore(%arg12 : memref<!tpu.dma_semaphore, #tpu.memory_space<semaphore_mem>>)
      %mul3A_178 = arith.constant 4 : i32
      %mul3A_179 = arith.muli %mul3A_178, %scan3A_102 : i32
      %add3A_180 = arith.constant 3 : i32
      %add3A_181 = arith.addi %mul3A_179, %add3A_180 : i32
      %dma_wait3A_182 = arith.constant 0 : i32
      %dma_wait3A_183 = tpu.memref_slice %arg5[%add3A_181, %dma_wait3A_182] : memref<26x128xi32, #tpu.memory_space<vmem>> -> memref<1x128xi32, #tpu.memory_space<vmem>>
      %dma_wait3A_184 = tpu.memref_squeeze %dma_wait3A_183 : memref<1x128xi32, #tpu.memory_space<vmem>> -> memref<128xi32, #tpu.memory_space<vmem>>
      %dma_wait3A_185 = arith.constant 0 : i32
      %dma_wait3A_186 = arith.constant 0 : i32
      %dma_wait3A_187 = tpu.memref_slice %arg2[%dma_wait3A_185, %dma_wait3A_186] : memref<26000x128xf32, #tpu.memory_space<hbm>> -> memref<26000x128xf32, #tpu.memory_space<hbm>>
      tpu.wait_indirect_dma semaphore(%arg13 : memref<!tpu.dma_semaphore, #tpu.memory_space<semaphore_mem>>) src(%dma_wait3A_187 : memref<26000x128xf32, #tpu.memory_space<hbm>>) dst(%arg9 : memref<128x128xf32, #tpu.memory_space<vmem>>)
      %mul3A_188 = arith.constant 128 : i32
      %mul3A_189 = arith.muli %add3A_181, %mul3A_188 : i32
      %multiple_of3A_190 = tpu.assume_multiple %mul3A_189, 128 : i32
      "tpu.region"() ({
        %run_scoped3A = tpu.sem_alloc : memref<!tpu.dma_semaphore, #tpu.memory_space<semaphore_mem>>
        %dma_start3A_203 = tpu.memref_slice %arg4[%multiple_of3A, %multiple_of3A_190] : memref<4096x3328xf32, #tpu.memory_space<hbm>> -> memref<128x128xf32, #tpu.memory_space<hbm>>
        %dma_start3A_204 = tpu.memref_slice %arg4[%multiple_of3A, %multiple_of3A_190] : memref<4096x3328xf32, #tpu.memory_space<hbm>> -> memref<128x128xf32, #tpu.memory_space<hbm>>
        tpu.enqueue_dma source(%arg9 : memref<128x128xf32, #tpu.memory_space<vmem>>) target(%dma_start3A_204 : memref<128x128xf32, #tpu.memory_space<hbm>>) target_semaphore(%run_scoped3A : memref<!tpu.dma_semaphore, #tpu.memory_space<semaphore_mem>>)
        %dma_wait3A_205 = tpu.memref_slice %arg4[%multiple_of3A, %multiple_of3A_190] : memref<4096x3328xf32, #tpu.memory_space<hbm>> -> memref<128x128xf32, #tpu.memory_space<hbm>>
        %dma_wait3A_206 = tpu.memref_slice %arg4[%multiple_of3A, %multiple_of3A_190] : memref<4096x3328xf32, #tpu.memory_space<hbm>> -> memref<128x128xf32, #tpu.memory_space<hbm>>
        tpu.wait_dma2 semaphore(%run_scoped3A : memref<!tpu.dma_semaphore, #tpu.memory_space<semaphore_mem>>) src(%arg9 : memref<128x128xf32, #tpu.memory_space<vmem>>) dst(%dma_wait3A_206 : memref<128x128xf32, #tpu.memory_space<hbm>>)
        tpu.yield
      }) : () -> ()
      %mul3A_191 = arith.constant 4 : i32
      %mul3A_192 = arith.muli %mul3A_191, %scan3A_102 : i32
      %add3A_193 = arith.constant 3 : i32
      %add3A_194 = arith.addi %mul3A_192, %add3A_193 : i32
      %add3A_195 = arith.constant 4 : i32
      %add3A_196 = arith.addi %add3A_194, %add3A_195 : i32
      %dma_start3A_197 = arith.constant 0 : i32
      %dma_start3A_198 = tpu.memref_slice %arg5[%add3A_196, %dma_start3A_197] : memref<26x128xi32, #tpu.memory_space<vmem>> -> memref<1x128xi32, #tpu.memory_space<vmem>>
      %dma_start3A_199 = tpu.memref_squeeze %dma_start3A_198 : memref<1x128xi32, #tpu.memory_space<vmem>> -> memref<128xi32, #tpu.memory_space<vmem>>
      %dma_start3A_200 = arith.constant 0 : i32
      %dma_start3A_201 = arith.constant 0 : i32
      %dma_start3A_202 = tpu.memref_slice %arg2[%dma_start3A_200, %dma_start3A_201] : memref<26000x128xf32, #tpu.memory_space<hbm>> -> memref<26000x128xf32, #tpu.memory_space<hbm>>
      tpu.enqueue_indirect_dma source(%dma_start3A_202 : memref<26000x128xf32, #tpu.memory_space<hbm>>) target(%arg9 : memref<128x128xf32, #tpu.memory_space<vmem>>) offsets(%dma_start3A_199 : memref<128xi32, #tpu.memory_space<vmem>>) semaphore(%arg13 : memref<!tpu.dma_semaphore, #tpu.memory_space<semaphore_mem>>)
    }
    %scan3A_34 = arith.constant 5 : i32
    %dma_wait3A = arith.constant 20 : i32
    %dma_wait3A_35 = arith.constant 0 : i32
    %dma_wait3A_36 = tpu.memref_slice %arg5[%dma_wait3A, %dma_wait3A_35] : memref<26x128xi32, #tpu.memory_space<vmem>> -> memref<1x128xi32, #tpu.memory_space<vmem>>
    %dma_wait3A_37 = tpu.memref_squeeze %dma_wait3A_36 : memref<1x128xi32, #tpu.memory_space<vmem>> -> memref<128xi32, #tpu.memory_space<vmem>>
    %dma_wait3A_38 = arith.constant 0 : i32
    %dma_wait3A_39 = arith.constant 0 : i32
    %dma_wait3A_40 = tpu.memref_slice %arg2[%dma_wait3A_38, %dma_wait3A_39] : memref<26000x128xf32, #tpu.memory_space<hbm>> -> memref<26000x128xf32, #tpu.memory_space<hbm>>
    tpu.wait_indirect_dma semaphore(%arg10 : memref<!tpu.dma_semaphore, #tpu.memory_space<semaphore_mem>>) src(%dma_wait3A_40 : memref<26000x128xf32, #tpu.memory_space<hbm>>) dst(%arg6 : memref<128x128xf32, #tpu.memory_space<vmem>>)
    %multiple_of3A_41 = arith.constant 2560 : i32
    %multiple_of3A_42 = tpu.assume_multiple %multiple_of3A_41, 128 : i32
    "tpu.region"() ({
      %run_scoped3A = tpu.sem_alloc : memref<!tpu.dma_semaphore, #tpu.memory_space<semaphore_mem>>
      %dma_start3A_102 = tpu.memref_slice %arg4[%multiple_of3A, %multiple_of3A_42] : memref<4096x3328xf32, #tpu.memory_space<hbm>> -> memref<128x128xf32, #tpu.memory_space<hbm>>
      %dma_start3A_103 = tpu.memref_slice %arg4[%multiple_of3A, %multiple_of3A_42] : memref<4096x3328xf32, #tpu.memory_space<hbm>> -> memref<128x128xf32, #tpu.memory_space<hbm>>
      tpu.enqueue_dma source(%arg6 : memref<128x128xf32, #tpu.memory_space<vmem>>) target(%dma_start3A_103 : memref<128x128xf32, #tpu.memory_space<hbm>>) target_semaphore(%run_scoped3A : memref<!tpu.dma_semaphore, #tpu.memory_space<semaphore_mem>>)
      %dma_wait3A_104 = tpu.memref_slice %arg4[%multiple_of3A, %multiple_of3A_42] : memref<4096x3328xf32, #tpu.memory_space<hbm>> -> memref<128x128xf32, #tpu.memory_space<hbm>>
      %dma_wait3A_105 = tpu.memref_slice %arg4[%multiple_of3A, %multiple_of3A_42] : memref<4096x3328xf32, #tpu.memory_space<hbm>> -> memref<128x128xf32, #tpu.memory_space<hbm>>
      tpu.wait_dma2 semaphore(%run_scoped3A : memref<!tpu.dma_semaphore, #tpu.memory_space<semaphore_mem>>) src(%arg6 : memref<128x128xf32, #tpu.memory_space<vmem>>) dst(%dma_wait3A_105 : memref<128x128xf32, #tpu.memory_space<hbm>>)
      tpu.yield
    }) : () -> ()
    %dma_start3A_43 = arith.constant 24 : i32
    %dma_start3A_44 = arith.constant 0 : i32
    %dma_start3A_45 = tpu.memref_slice %arg5[%dma_start3A_43, %dma_start3A_44] : memref<26x128xi32, #tpu.memory_space<vmem>> -> memref<1x128xi32, #tpu.memory_space<vmem>>
    %dma_start3A_46 = tpu.memref_squeeze %dma_start3A_45 : memref<1x128xi32, #tpu.memory_space<vmem>> -> memref<128xi32, #tpu.memory_space<vmem>>
    %dma_start3A_47 = arith.constant 0 : i32
    %dma_start3A_48 = arith.constant 0 : i32
    %dma_start3A_49 = tpu.memref_slice %arg2[%dma_start3A_47, %dma_start3A_48] : memref<26000x128xf32, #tpu.memory_space<hbm>> -> memref<26000x128xf32, #tpu.memory_space<hbm>>
    tpu.enqueue_indirect_dma source(%dma_start3A_49 : memref<26000x128xf32, #tpu.memory_space<hbm>>) target(%arg6 : memref<128x128xf32, #tpu.memory_space<vmem>>) offsets(%dma_start3A_46 : memref<128xi32, #tpu.memory_space<vmem>>) semaphore(%arg10 : memref<!tpu.dma_semaphore, #tpu.memory_space<semaphore_mem>>)
    %dma_wait3A_50 = arith.constant 21 : i32
    %dma_wait3A_51 = arith.constant 0 : i32
    %dma_wait3A_52 = tpu.memref_slice %arg5[%dma_wait3A_50, %dma_wait3A_51] : memref<26x128xi32, #tpu.memory_space<vmem>> -> memref<1x128xi32, #tpu.memory_space<vmem>>
    %dma_wait3A_53 = tpu.memref_squeeze %dma_wait3A_52 : memref<1x128xi32, #tpu.memory_space<vmem>> -> memref<128xi32, #tpu.memory_space<vmem>>
    %dma_wait3A_54 = arith.constant 0 : i32
    %dma_wait3A_55 = arith.constant 0 : i32
    %dma_wait3A_56 = tpu.memref_slice %arg2[%dma_wait3A_54, %dma_wait3A_55] : memref<26000x128xf32, #tpu.memory_space<hbm>> -> memref<26000x128xf32, #tpu.memory_space<hbm>>
    tpu.wait_indirect_dma semaphore(%arg11 : memref<!tpu.dma_semaphore, #tpu.memory_space<semaphore_mem>>) src(%dma_wait3A_56 : memref<26000x128xf32, #tpu.memory_space<hbm>>) dst(%arg7 : memref<128x128xf32, #tpu.memory_space<vmem>>)
    %multiple_of3A_57 = arith.constant 2688 : i32
    %multiple_of3A_58 = tpu.assume_multiple %multiple_of3A_57, 128 : i32
    "tpu.region"() ({
      %run_scoped3A = tpu.sem_alloc : memref<!tpu.dma_semaphore, #tpu.memory_space<semaphore_mem>>
      %dma_start3A_102 = tpu.memref_slice %arg4[%multiple_of3A, %multiple_of3A_58] : memref<4096x3328xf32, #tpu.memory_space<hbm>> -> memref<128x128xf32, #tpu.memory_space<hbm>>
      %dma_start3A_103 = tpu.memref_slice %arg4[%multiple_of3A, %multiple_of3A_58] : memref<4096x3328xf32, #tpu.memory_space<hbm>> -> memref<128x128xf32, #tpu.memory_space<hbm>>
      tpu.enqueue_dma source(%arg7 : memref<128x128xf32, #tpu.memory_space<vmem>>) target(%dma_start3A_103 : memref<128x128xf32, #tpu.memory_space<hbm>>) target_semaphore(%run_scoped3A : memref<!tpu.dma_semaphore, #tpu.memory_space<semaphore_mem>>)
      %dma_wait3A_104 = tpu.memref_slice %arg4[%multiple_of3A, %multiple_of3A_58] : memref<4096x3328xf32, #tpu.memory_space<hbm>> -> memref<128x128xf32, #tpu.memory_space<hbm>>
      %dma_wait3A_105 = tpu.memref_slice %arg4[%multiple_of3A, %multiple_of3A_58] : memref<4096x3328xf32, #tpu.memory_space<hbm>> -> memref<128x128xf32, #tpu.memory_space<hbm>>
      tpu.wait_dma2 semaphore(%run_scoped3A : memref<!tpu.dma_semaphore, #tpu.memory_space<semaphore_mem>>) src(%arg7 : memref<128x128xf32, #tpu.memory_space<vmem>>) dst(%dma_wait3A_105 : memref<128x128xf32, #tpu.memory_space<hbm>>)
      tpu.yield
    }) : () -> ()
    %dma_start3A_59 = arith.constant 25 : i32
    %dma_start3A_60 = arith.constant 0 : i32
    %dma_start3A_61 = tpu.memref_slice %arg5[%dma_start3A_59, %dma_start3A_60] : memref<26x128xi32, #tpu.memory_space<vmem>> -> memref<1x128xi32, #tpu.memory_space<vmem>>
    %dma_start3A_62 = tpu.memref_squeeze %dma_start3A_61 : memref<1x128xi32, #tpu.memory_space<vmem>> -> memref<128xi32, #tpu.memory_space<vmem>>
    %dma_start3A_63 = arith.constant 0 : i32
    %dma_start3A_64 = arith.constant 0 : i32
    %dma_start3A_65 = tpu.memref_slice %arg2[%dma_start3A_63, %dma_start3A_64] : memref<26000x128xf32, #tpu.memory_space<hbm>> -> memref<26000x128xf32, #tpu.memory_space<hbm>>
    tpu.enqueue_indirect_dma source(%dma_start3A_65 : memref<26000x128xf32, #tpu.memory_space<hbm>>) target(%arg7 : memref<128x128xf32, #tpu.memory_space<vmem>>) offsets(%dma_start3A_62 : memref<128xi32, #tpu.memory_space<vmem>>) semaphore(%arg11 : memref<!tpu.dma_semaphore, #tpu.memory_space<semaphore_mem>>)
    %dma_wait3A_66 = arith.constant 22 : i32
    %dma_wait3A_67 = arith.constant 0 : i32
    %dma_wait3A_68 = tpu.memref_slice %arg5[%dma_wait3A_66, %dma_wait3A_67] : memref<26x128xi32, #tpu.memory_space<vmem>> -> memref<1x128xi32, #tpu.memory_space<vmem>>
    %dma_wait3A_69 = tpu.memref_squeeze %dma_wait3A_68 : memref<1x128xi32, #tpu.memory_space<vmem>> -> memref<128xi32, #tpu.memory_space<vmem>>
    %dma_wait3A_70 = arith.constant 0 : i32
    %dma_wait3A_71 = arith.constant 0 : i32
    %dma_wait3A_72 = tpu.memref_slice %arg2[%dma_wait3A_70, %dma_wait3A_71] : memref<26000x128xf32, #tpu.memory_space<hbm>> -> memref<26000x128xf32, #tpu.memory_space<hbm>>
    tpu.wait_indirect_dma semaphore(%arg12 : memref<!tpu.dma_semaphore, #tpu.memory_space<semaphore_mem>>) src(%dma_wait3A_72 : memref<26000x128xf32, #tpu.memory_space<hbm>>) dst(%arg8 : memref<128x128xf32, #tpu.memory_space<vmem>>)
    %multiple_of3A_73 = arith.constant 2816 : i32
    %multiple_of3A_74 = tpu.assume_multiple %multiple_of3A_73, 128 : i32
    "tpu.region"() ({
      %run_scoped3A = tpu.sem_alloc : memref<!tpu.dma_semaphore, #tpu.memory_space<semaphore_mem>>
      %dma_start3A_102 = tpu.memref_slice %arg4[%multiple_of3A, %multiple_of3A_74] : memref<4096x3328xf32, #tpu.memory_space<hbm>> -> memref<128x128xf32, #tpu.memory_space<hbm>>
      %dma_start3A_103 = tpu.memref_slice %arg4[%multiple_of3A, %multiple_of3A_74] : memref<4096x3328xf32, #tpu.memory_space<hbm>> -> memref<128x128xf32, #tpu.memory_space<hbm>>
      tpu.enqueue_dma source(%arg8 : memref<128x128xf32, #tpu.memory_space<vmem>>) target(%dma_start3A_103 : memref<128x128xf32, #tpu.memory_space<hbm>>) target_semaphore(%run_scoped3A : memref<!tpu.dma_semaphore, #tpu.memory_space<semaphore_mem>>)
      %dma_wait3A_104 = tpu.memref_slice %arg4[%multiple_of3A, %multiple_of3A_74] : memref<4096x3328xf32, #tpu.memory_space<hbm>> -> memref<128x128xf32, #tpu.memory_space<hbm>>
      %dma_wait3A_105 = tpu.memref_slice %arg4[%multiple_of3A, %multiple_of3A_74] : memref<4096x3328xf32, #tpu.memory_space<hbm>> -> memref<128x128xf32, #tpu.memory_space<hbm>>
      tpu.wait_dma2 semaphore(%run_scoped3A : memref<!tpu.dma_semaphore, #tpu.memory_space<semaphore_mem>>) src(%arg8 : memref<128x128xf32, #tpu.memory_space<vmem>>) dst(%dma_wait3A_105 : memref<128x128xf32, #tpu.memory_space<hbm>>)
      tpu.yield
    }) : () -> ()
    %dma_wait3A_75 = arith.constant 23 : i32
    %dma_wait3A_76 = arith.constant 0 : i32
    %dma_wait3A_77 = tpu.memref_slice %arg5[%dma_wait3A_75, %dma_wait3A_76] : memref<26x128xi32, #tpu.memory_space<vmem>> -> memref<1x128xi32, #tpu.memory_space<vmem>>
    %dma_wait3A_78 = tpu.memref_squeeze %dma_wait3A_77 : memref<1x128xi32, #tpu.memory_space<vmem>> -> memref<128xi32, #tpu.memory_space<vmem>>
    %dma_wait3A_79 = arith.constant 0 : i32
    %dma_wait3A_80 = arith.constant 0 : i32
    %dma_wait3A_81 = tpu.memref_slice %arg2[%dma_wait3A_79, %dma_wait3A_80] : memref<26000x128xf32, #tpu.memory_space<hbm>> -> memref<26000x128xf32, #tpu.memory_space<hbm>>
    tpu.wait_indirect_dma semaphore(%arg13 : memref<!tpu.dma_semaphore, #tpu.memory_space<semaphore_mem>>) src(%dma_wait3A_81 : memref<26000x128xf32, #tpu.memory_space<hbm>>) dst(%arg9 : memref<128x128xf32, #tpu.memory_space<vmem>>)
    %multiple_of3A_82 = arith.constant 2944 : i32
    %multiple_of3A_83 = tpu.assume_multiple %multiple_of3A_82, 128 : i32
    "tpu.region"() ({
      %run_scoped3A = tpu.sem_alloc : memref<!tpu.dma_semaphore, #tpu.memory_space<semaphore_mem>>
      %dma_start3A_102 = tpu.memref_slice %arg4[%multiple_of3A, %multiple_of3A_83] : memref<4096x3328xf32, #tpu.memory_space<hbm>> -> memref<128x128xf32, #tpu.memory_space<hbm>>
      %dma_start3A_103 = tpu.memref_slice %arg4[%multiple_of3A, %multiple_of3A_83] : memref<4096x3328xf32, #tpu.memory_space<hbm>> -> memref<128x128xf32, #tpu.memory_space<hbm>>
      tpu.enqueue_dma source(%arg9 : memref<128x128xf32, #tpu.memory_space<vmem>>) target(%dma_start3A_103 : memref<128x128xf32, #tpu.memory_space<hbm>>) target_semaphore(%run_scoped3A : memref<!tpu.dma_semaphore, #tpu.memory_space<semaphore_mem>>)
      %dma_wait3A_104 = tpu.memref_slice %arg4[%multiple_of3A, %multiple_of3A_83] : memref<4096x3328xf32, #tpu.memory_space<hbm>> -> memref<128x128xf32, #tpu.memory_space<hbm>>
      %dma_wait3A_105 = tpu.memref_slice %arg4[%multiple_of3A, %multiple_of3A_83] : memref<4096x3328xf32, #tpu.memory_space<hbm>> -> memref<128x128xf32, #tpu.memory_space<hbm>>
      tpu.wait_dma2 semaphore(%run_scoped3A : memref<!tpu.dma_semaphore, #tpu.memory_space<semaphore_mem>>) src(%arg9 : memref<128x128xf32, #tpu.memory_space<vmem>>) dst(%dma_wait3A_105 : memref<128x128xf32, #tpu.memory_space<hbm>>)
      tpu.yield
    }) : () -> ()
    %dma_wait3A_84 = arith.constant 24 : i32
    %dma_wait3A_85 = arith.constant 0 : i32
    %dma_wait3A_86 = tpu.memref_slice %arg5[%dma_wait3A_84, %dma_wait3A_85] : memref<26x128xi32, #tpu.memory_space<vmem>> -> memref<1x128xi32, #tpu.memory_space<vmem>>
    %dma_wait3A_87 = tpu.memref_squeeze %dma_wait3A_86 : memref<1x128xi32, #tpu.memory_space<vmem>> -> memref<128xi32, #tpu.memory_space<vmem>>
    %dma_wait3A_88 = arith.constant 0 : i32
    %dma_wait3A_89 = arith.constant 0 : i32
    %dma_wait3A_90 = tpu.memref_slice %arg2[%dma_wait3A_88, %dma_wait3A_89] : memref<26000x128xf32, #tpu.memory_space<hbm>> -> memref<26000x128xf32, #tpu.memory_space<hbm>>
    tpu.wait_indirect_dma semaphore(%arg10 : memref<!tpu.dma_semaphore, #tpu.memory_space<semaphore_mem>>) src(%dma_wait3A_90 : memref<26000x128xf32, #tpu.memory_space<hbm>>) dst(%arg6 : memref<128x128xf32, #tpu.memory_space<vmem>>)
    %multiple_of3A_91 = arith.constant 3072 : i32
    %multiple_of3A_92 = tpu.assume_multiple %multiple_of3A_91, 128 : i32
    "tpu.region"() ({
      %run_scoped3A = tpu.sem_alloc : memref<!tpu.dma_semaphore, #tpu.memory_space<semaphore_mem>>
      %dma_start3A_102 = tpu.memref_slice %arg4[%multiple_of3A, %multiple_of3A_92] : memref<4096x3328xf32, #tpu.memory_space<hbm>> -> memref<128x128xf32, #tpu.memory_space<hbm>>
      %dma_start3A_103 = tpu.memref_slice %arg4[%multiple_of3A, %multiple_of3A_92] : memref<4096x3328xf32, #tpu.memory_space<hbm>> -> memref<128x128xf32, #tpu.memory_space<hbm>>
      tpu.enqueue_dma source(%arg6 : memref<128x128xf32, #tpu.memory_space<vmem>>) target(%dma_start3A_103 : memref<128x128xf32, #tpu.memory_space<hbm>>) target_semaphore(%run_scoped3A : memref<!tpu.dma_semaphore, #tpu.memory_space<semaphore_mem>>)
      %dma_wait3A_104 = tpu.memref_slice %arg4[%multiple_of3A, %multiple_of3A_92] : memref<4096x3328xf32, #tpu.memory_space<hbm>> -> memref<128x128xf32, #tpu.memory_space<hbm>>
      %dma_wait3A_105 = tpu.memref_slice %arg4[%multiple_of3A, %multiple_of3A_92] : memref<4096x3328xf32, #tpu.memory_space<hbm>> -> memref<128x128xf32, #tpu.memory_space<hbm>>
      tpu.wait_dma2 semaphore(%run_scoped3A : memref<!tpu.dma_semaphore, #tpu.memory_space<semaphore_mem>>) src(%arg6 : memref<128x128xf32, #tpu.memory_space<vmem>>) dst(%dma_wait3A_105 : memref<128x128xf32, #tpu.memory_space<hbm>>)
      tpu.yield
    }) : () -> ()
    %dma_wait3A_93 = arith.constant 25 : i32
    %dma_wait3A_94 = arith.constant 0 : i32
    %dma_wait3A_95 = tpu.memref_slice %arg5[%dma_wait3A_93, %dma_wait3A_94] : memref<26x128xi32, #tpu.memory_space<vmem>> -> memref<1x128xi32, #tpu.memory_space<vmem>>
    %dma_wait3A_96 = tpu.memref_squeeze %dma_wait3A_95 : memref<1x128xi32, #tpu.memory_space<vmem>> -> memref<128xi32, #tpu.memory_space<vmem>>
    %dma_wait3A_97 = arith.constant 0 : i32
    %dma_wait3A_98 = arith.constant 0 : i32
    %dma_wait3A_99 = tpu.memref_slice %arg2[%dma_wait3A_97, %dma_wait3A_98] : memref<26000x128xf32, #tpu.memory_space<hbm>> -> memref<26000x128xf32, #tpu.memory_space<hbm>>
    tpu.wait_indirect_dma semaphore(%arg11 : memref<!tpu.dma_semaphore, #tpu.memory_space<semaphore_mem>>) src(%dma_wait3A_99 : memref<26000x128xf32, #tpu.memory_space<hbm>>) dst(%arg7 : memref<128x128xf32, #tpu.memory_space<vmem>>)
    %multiple_of3A_100 = arith.constant 3200 : i32
    %multiple_of3A_101 = tpu.assume_multiple %multiple_of3A_100, 128 : i32
    "tpu.region"() ({
      %run_scoped3A = tpu.sem_alloc : memref<!tpu.dma_semaphore, #tpu.memory_space<semaphore_mem>>
      %dma_start3A_102 = tpu.memref_slice %arg4[%multiple_of3A, %multiple_of3A_101] : memref<4096x3328xf32, #tpu.memory_space<hbm>> -> memref<128x128xf32, #tpu.memory_space<hbm>>
      %dma_start3A_103 = tpu.memref_slice %arg4[%multiple_of3A, %multiple_of3A_101] : memref<4096x3328xf32, #tpu.memory_space<hbm>> -> memref<128x128xf32, #tpu.memory_space<hbm>>
      tpu.enqueue_dma source(%arg7 : memref<128x128xf32, #tpu.memory_space<vmem>>) target(%dma_start3A_103 : memref<128x128xf32, #tpu.memory_space<hbm>>) target_semaphore(%run_scoped3A : memref<!tpu.dma_semaphore, #tpu.memory_space<semaphore_mem>>)
      %dma_wait3A_104 = tpu.memref_slice %arg4[%multiple_of3A, %multiple_of3A_101] : memref<4096x3328xf32, #tpu.memory_space<hbm>> -> memref<128x128xf32, #tpu.memory_space<hbm>>
      %dma_wait3A_105 = tpu.memref_slice %arg4[%multiple_of3A, %multiple_of3A_101] : memref<4096x3328xf32, #tpu.memory_space<hbm>> -> memref<128x128xf32, #tpu.memory_space<hbm>>
      tpu.wait_dma2 semaphore(%run_scoped3A : memref<!tpu.dma_semaphore, #tpu.memory_space<semaphore_mem>>) src(%arg7 : memref<128x128xf32, #tpu.memory_space<vmem>>) dst(%dma_wait3A_105 : memref<128x128xf32, #tpu.memory_space<hbm>>)
      tpu.yield
    }) : () -> ()
    return
  }
}

module attributes {stable_mosaic.version = 14 : i64} {
  func.func @_tc_body(%arg0: i32, %arg1: memref<512x3328xf32, #tpu.memory_space<vmem>>, %arg2: memref<512x26xf32, #tpu.memory_space<vmem>>, %arg3: memref<26x3328xbf16, #tpu.memory_space<vmem>>, %arg4: memref<3328x8xf32, #tpu.memory_space<vmem>>, %arg5: memref<1x8xf32, #tpu.memory_space<vmem>>, %arg6: memref<3328x1024xf32, #tpu.memory_space<vmem>>, %arg7: memref<1x1024xf32, #tpu.memory_space<vmem>>, %arg8: memref<1024x1024xf32, #tpu.memory_space<vmem>>, %arg9: memref<1x1024xf32, #tpu.memory_space<vmem>>, %arg10: memref<1x1024xf32, #tpu.memory_space<vmem>>, %arg11: memref<1x1xf32, #tpu.memory_space<vmem>>, %arg12: memref<512xf32, #tpu.memory_space<vmem>>) attributes {dimension_semantics = [#tpu.dimension_semantics<arbitrary>], iteration_bounds = array<i64: 8>, scalar_prefetch = 0 : i64, scratch_operands = 0 : i64, tpu.core_type = #tpu.core_type<tc>, window_params = [{transform_indices = @transform_0, window_bounds = array<i64: 512, 3328>}, {transform_indices = @transform_1, window_bounds = array<i64: 512, 26>}, {pipeline_mode = #tpu.pipeline_mode<synchronous>, transform_indices = @transform_2, window_bounds = array<i64: 26, 3328>}, {pipeline_mode = #tpu.pipeline_mode<synchronous>, transform_indices = @transform_3, window_bounds = array<i64: 3328, 8>}, {pipeline_mode = #tpu.pipeline_mode<synchronous>, transform_indices = @transform_4, window_bounds = array<i64: 1, 8>}, {pipeline_mode = #tpu.pipeline_mode<synchronous>, transform_indices = @transform_5, window_bounds = array<i64: 3328, 1024>}, {pipeline_mode = #tpu.pipeline_mode<synchronous>, transform_indices = @transform_6, window_bounds = array<i64: 1, 1024>}, {pipeline_mode = #tpu.pipeline_mode<synchronous>, transform_indices = @transform_7, window_bounds = array<i64: 1024, 1024>}, {pipeline_mode = #tpu.pipeline_mode<synchronous>, transform_indices = @transform_8, window_bounds = array<i64: 1, 1024>}, {pipeline_mode = #tpu.pipeline_mode<synchronous>, transform_indices = @transform_9, window_bounds = array<i64: 1, 1024>}, {pipeline_mode = #tpu.pipeline_mode<synchronous>, transform_indices = @transform_10, window_bounds = array<i64: 1, 1>}, {transform_indices = @transform_11, window_bounds = array<i64: 512>}]} {
    %get3A = arith.constant 0 : index
    %get3A_0 = arith.constant 0 : index
    %get3A_1 = vector.load %arg2[%get3A, %get3A_0] : memref<512x26xf32, #tpu.memory_space<vmem>>, vector<512x26xf32>
    %convert_element_type3A = arith.truncf %get3A_1 : vector<512x26xf32> to vector<512x26xbf16>
    %convert_element_type3A_2 = arith.extf %convert_element_type3A : vector<512x26xbf16> to vector<512x26xf32>
    %sub3A = arith.subf %get3A_1, %convert_element_type3A_2 : vector<512x26xf32>
    %convert_element_type3A_3 = arith.truncf %sub3A : vector<512x26xf32> to vector<512x26xbf16>
    %get3A_4 = arith.constant 0 : index
    %get3A_5 = arith.constant 0 : index
    %get3A_6 = vector.load %arg3[%get3A_4, %get3A_5] : memref<26x3328xbf16, #tpu.memory_space<vmem>>, vector<26x3328xbf16>
    %dot_general3A = arith.constant dense<0.000000e+00> : vector<512x3328xf32>
    %dot_general3A_7 = tpu.matmul %convert_element_type3A, %get3A_6, %dot_general3A {dimension_numbers = #tpu.dot_dimension_numbers<[1], [0], [0], [1], [0, 0, 1, 1], [], []>, transpose_lhs_hint = false} : vector<512x26xbf16>, vector<26x3328xbf16>, vector<512x3328xf32> -> vector<512x3328xf32>
    %dot_general3A_8 = arith.constant dense<0.000000e+00> : vector<512x3328xf32>
    %dot_general3A_9 = tpu.matmul %convert_element_type3A_3, %get3A_6, %dot_general3A_8 {dimension_numbers = #tpu.dot_dimension_numbers<[1], [0], [0], [1], [0, 0, 1, 1], [], []>, transpose_lhs_hint = false} : vector<512x26xbf16>, vector<26x3328xbf16>, vector<512x3328xf32> -> vector<512x3328xf32>
    %add3A = arith.addf %dot_general3A_7, %dot_general3A_9 : vector<512x3328xf32>
    %get3A_10 = arith.constant 0 : index
    %get3A_11 = arith.constant 0 : index
    %get3A_12 = vector.load %arg1[%get3A_10, %get3A_11] : memref<512x3328xf32, #tpu.memory_space<vmem>>, vector<512x3328xf32>
    %mul3A = arith.mulf %get3A_12, %add3A : vector<512x3328xf32>
    %mul3A_13 = arith.mulf %mul3A, %mul3A : vector<512x3328xf32>
    %reduce_sum3A = arith.constant dense<0.000000e+00> : vector<512xf32>
    %reduce_sum3A_14 = vector.multi_reduction <add>, %mul3A_13, %reduce_sum3A [1] : vector<512x3328xf32> to vector<512xf32>
    %broadcast_in_dim3A = vector.shape_cast %reduce_sum3A_14 : vector<512xf32> to vector<512x1xf32>
    %get3A_15 = arith.constant 0 : index
    %get3A_16 = arith.constant 0 : index
    %get3A_17 = vector.load %arg4[%get3A_15, %get3A_16] : memref<3328x8xf32, #tpu.memory_space<vmem>>, vector<3328x8xf32>
    %dot_general3A_18 = arith.constant dense<0.000000e+00> : vector<512x8xf32>
    %dot_general3A_19 = tpu.matmul %mul3A, %get3A_17, %dot_general3A_18 {dimension_numbers = #tpu.dot_dimension_numbers<[1], [0], [0], [1], [0, 0, 1, 1], [], []>, transpose_lhs_hint = false} : vector<512x3328xf32>, vector<3328x8xf32>, vector<512x8xf32> -> vector<512x8xf32>
    %slice3A = vector.extract_strided_slice %dot_general3A_19 {offsets = [0, 0], sizes = [512, 1], strides = [1, 1]} : vector<512x8xf32> to vector<512x1xf32>
    %slice3A_20 = vector.extract_strided_slice %dot_general3A_19 {offsets = [0, 1], sizes = [512, 1], strides = [1, 1]} : vector<512x8xf32> to vector<512x1xf32>
    %slice3A_21 = vector.extract_strided_slice %dot_general3A_19 {offsets = [0, 2], sizes = [512, 1], strides = [1, 1]} : vector<512x8xf32> to vector<512x1xf32>
    %slice3A_22 = vector.extract_strided_slice %dot_general3A_19 {offsets = [0, 3], sizes = [512, 1], strides = [1, 1]} : vector<512x8xf32> to vector<512x1xf32>
    %slice3A_23 = vector.extract_strided_slice %dot_general3A_19 {offsets = [0, 4], sizes = [512, 1], strides = [1, 1]} : vector<512x8xf32> to vector<512x1xf32>
    %mul3A_24 = arith.mulf %broadcast_in_dim3A, %slice3A : vector<512x1xf32>
    %add3A_25 = arith.addf %mul3A_24, %slice3A_21 : vector<512x1xf32>
    %add3A_26 = arith.addf %add3A_25, %broadcast_in_dim3A : vector<512x1xf32>
    %mul3A_27 = arith.mulf %add3A_26, %slice3A_20 : vector<512x1xf32>
    %add3A_28 = arith.addf %mul3A_27, %slice3A_22 : vector<512x1xf32>
    %add3A_29 = arith.addf %add3A_28, %add3A_26 : vector<512x1xf32>
    %get3A_30 = arith.constant 0 : index
    %get3A_31 = arith.constant 0 : index
    %get3A_32 = vector.load %arg5[%get3A_30, %get3A_31] : memref<1x8xf32, #tpu.memory_space<vmem>>, vector<1x8xf32>
    %slice3A_33 = vector.extract_strided_slice %get3A_32 {offsets = [0, 0], sizes = [1, 1], strides = [1, 1]} : vector<1x8xf32> to vector<1x1xf32>
    %mul3A_34 = vector.broadcast %slice3A_33 : vector<1x1xf32> to vector<512x1xf32>
    %mul3A_35 = arith.mulf %broadcast_in_dim3A, %mul3A_34 : vector<512x1xf32>
    %add3A_36 = arith.addf %slice3A_23, %mul3A_35 : vector<512x1xf32>
    %slice3A_37 = vector.extract_strided_slice %get3A_32 {offsets = [0, 1], sizes = [1, 1], strides = [1, 1]} : vector<1x8xf32> to vector<1x1xf32>
    %mul3A_38 = vector.broadcast %slice3A_37 : vector<1x1xf32> to vector<512x1xf32>
    %mul3A_39 = arith.mulf %add3A_26, %mul3A_38 : vector<512x1xf32>
    %add3A_40 = arith.addf %add3A_36, %mul3A_39 : vector<512x1xf32>
    %slice3A_41 = vector.extract_strided_slice %get3A_32 {offsets = [0, 2], sizes = [1, 1], strides = [1, 1]} : vector<1x8xf32> to vector<1x1xf32>
    %mul3A_42 = vector.broadcast %slice3A_41 : vector<1x1xf32> to vector<512x1xf32>
    %mul3A_43 = arith.mulf %add3A_29, %mul3A_42 : vector<512x1xf32>
    %add3A_44 = arith.addf %add3A_40, %mul3A_43 : vector<512x1xf32>
    %slice3A_45 = vector.extract_strided_slice %get3A_32 {offsets = [0, 3], sizes = [1, 1], strides = [1, 1]} : vector<1x8xf32> to vector<1x1xf32>
    %add3A_46 = vector.broadcast %slice3A_45 : vector<1x1xf32> to vector<512x1xf32>
    %add3A_47 = arith.addf %add3A_44, %add3A_46 : vector<512x1xf32>
    %get3A_48 = arith.constant 0 : index
    %get3A_49 = arith.constant 0 : index
    %get3A_50 = vector.load %arg6[%get3A_48, %get3A_49] : memref<3328x1024xf32, #tpu.memory_space<vmem>>, vector<3328x1024xf32>
    %dot_general3A_51 = arith.constant dense<0.000000e+00> : vector<512x1024xf32>
    %dot_general3A_52 = tpu.matmul %mul3A, %get3A_50, %dot_general3A_51 {dimension_numbers = #tpu.dot_dimension_numbers<[1], [0], [0], [1], [0, 0, 1, 1], [], []>, transpose_lhs_hint = false} : vector<512x3328xf32>, vector<3328x1024xf32>, vector<512x1024xf32> -> vector<512x1024xf32>
    %get3A_53 = arith.constant 0 : index
    %get3A_54 = arith.constant 0 : index
    %get3A_55 = vector.load %arg7[%get3A_53, %get3A_54] : memref<1x1024xf32, #tpu.memory_space<vmem>>, vector<1x1024xf32>
    %add3A_56 = vector.broadcast %get3A_55 : vector<1x1024xf32> to vector<512x1024xf32>
    %add3A_57 = arith.addf %dot_general3A_52, %add3A_56 : vector<512x1024xf32>
    %max3A = arith.constant 0.000000e+00 : f32
    %max3A_58 = vector.broadcast %max3A : f32 to vector<512x1024xf32>
    %max3A_59 = arith.maximumf %add3A_57, %max3A_58 : vector<512x1024xf32>
    %get3A_60 = arith.constant 0 : index
    %get3A_61 = arith.constant 0 : index
    %get3A_62 = vector.load %arg8[%get3A_60, %get3A_61] : memref<1024x1024xf32, #tpu.memory_space<vmem>>, vector<1024x1024xf32>
    %dot_general3A_63 = arith.constant dense<0.000000e+00> : vector<512x1024xf32>
    %dot_general3A_64 = tpu.matmul %max3A_59, %get3A_62, %dot_general3A_63 {dimension_numbers = #tpu.dot_dimension_numbers<[1], [0], [0], [1], [0, 0, 1, 1], [], []>, transpose_lhs_hint = false} : vector<512x1024xf32>, vector<1024x1024xf32>, vector<512x1024xf32> -> vector<512x1024xf32>
    %get3A_65 = arith.constant 0 : index
    %get3A_66 = arith.constant 0 : index
    %get3A_67 = vector.load %arg9[%get3A_65, %get3A_66] : memref<1x1024xf32, #tpu.memory_space<vmem>>, vector<1x1024xf32>
    %add3A_68 = vector.broadcast %get3A_67 : vector<1x1024xf32> to vector<512x1024xf32>
    %add3A_69 = arith.addf %dot_general3A_64, %add3A_68 : vector<512x1024xf32>
    %max3A_70 = arith.constant 0.000000e+00 : f32
    %max3A_71 = vector.broadcast %max3A_70 : f32 to vector<512x1024xf32>
    %max3A_72 = arith.maximumf %add3A_69, %max3A_71 : vector<512x1024xf32>
    %get3A_73 = arith.constant 0 : index
    %get3A_74 = arith.constant 0 : index
    %get3A_75 = vector.load %arg10[%get3A_73, %get3A_74] : memref<1x1024xf32, #tpu.memory_space<vmem>>, vector<1x1024xf32>
    %mul3A_76 = vector.broadcast %get3A_75 : vector<1x1024xf32> to vector<512x1024xf32>
    %mul3A_77 = arith.mulf %max3A_72, %mul3A_76 : vector<512x1024xf32>
    %reduce_sum3A_78 = arith.constant dense<0.000000e+00> : vector<512xf32>
    %reduce_sum3A_79 = vector.multi_reduction <add>, %mul3A_77, %reduce_sum3A_78 [1] : vector<512x1024xf32> to vector<512xf32>
    %broadcast_in_dim3A_80 = vector.shape_cast %reduce_sum3A_79 : vector<512xf32> to vector<512x1xf32>
    %add3A_81 = arith.addf %add3A_47, %broadcast_in_dim3A_80 : vector<512x1xf32>
    %get3A_82 = arith.constant 0 : index
    %get3A_83 = arith.constant 0 : index
    %get3A_84 = vector.load %arg11[%get3A_82, %get3A_83] : memref<1x1xf32, #tpu.memory_space<vmem>>, vector<1x1xf32>
    %add3A_85 = vector.broadcast %get3A_84 : vector<1x1xf32> to vector<512x1xf32>
    %add3A_86 = arith.addf %add3A_81, %add3A_85 : vector<512x1xf32>
    %squeeze3A = vector.shape_cast %add3A_86 : vector<512x1xf32> to vector<512xf32>
    %swap3A = arith.constant 0 : index
    %swap3A_87 = vector.load %arg12[%swap3A] : memref<512xf32, #tpu.memory_space<vmem>>, vector<512xf32>
    tpu.vector_store %arg12[%swap3A], %squeeze3A {strides = array<i32>} : memref<512xf32, #tpu.memory_space<vmem>>, vector<512xf32>,
    return
  }
  func.func @transform_0(%arg0: i32) -> (i32, i32) {
    %c0_i32 = arith.constant 0 : i32
    %c0_i32_0 = arith.constant 0 : i32
    return %arg0, %c0_i32 : i32, i32
  }
  func.func @transform_1(%arg0: i32) -> (i32, i32) {
    %c0_i32 = arith.constant 0 : i32
    %c0_i32_0 = arith.constant 0 : i32
    return %arg0, %c0_i32 : i32, i32
  }
  func.func @transform_2(%arg0: i32) -> (i32, i32) {
    %c0_i32 = arith.constant 0 : i32
    %c0_i32_0 = arith.constant 0 : i32
    %c0_i32_1 = arith.constant 0 : i32
    return %c0_i32, %c0_i32_0 : i32, i32
  }
  func.func @transform_3(%arg0: i32) -> (i32, i32) {
    %c0_i32 = arith.constant 0 : i32
    %c0_i32_0 = arith.constant 0 : i32
    %c0_i32_1 = arith.constant 0 : i32
    return %c0_i32, %c0_i32_0 : i32, i32
  }
  func.func @transform_4(%arg0: i32) -> (i32, i32) {
    %c0_i32 = arith.constant 0 : i32
    %c0_i32_0 = arith.constant 0 : i32
    %c0_i32_1 = arith.constant 0 : i32
    return %c0_i32, %c0_i32_0 : i32, i32
  }
  func.func @transform_5(%arg0: i32) -> (i32, i32) {
    %c0_i32 = arith.constant 0 : i32
    %c0_i32_0 = arith.constant 0 : i32
    %c0_i32_1 = arith.constant 0 : i32
    return %c0_i32, %c0_i32_0 : i32, i32
  }
  func.func @transform_6(%arg0: i32) -> (i32, i32) {
    %c0_i32 = arith.constant 0 : i32
    %c0_i32_0 = arith.constant 0 : i32
    %c0_i32_1 = arith.constant 0 : i32
    return %c0_i32, %c0_i32_0 : i32, i32
  }
  func.func @transform_7(%arg0: i32) -> (i32, i32) {
    %c0_i32 = arith.constant 0 : i32
    %c0_i32_0 = arith.constant 0 : i32
    %c0_i32_1 = arith.constant 0 : i32
    return %c0_i32, %c0_i32_0 : i32, i32
  }
  func.func @transform_8(%arg0: i32) -> (i32, i32) {
    %c0_i32 = arith.constant 0 : i32
    %c0_i32_0 = arith.constant 0 : i32
    %c0_i32_1 = arith.constant 0 : i32
    return %c0_i32, %c0_i32_0 : i32, i32
  }
  func.func @transform_9(%arg0: i32) -> (i32, i32) {
    %c0_i32 = arith.constant 0 : i32
    %c0_i32_0 = arith.constant 0 : i32
    %c0_i32_1 = arith.constant 0 : i32
    return %c0_i32, %c0_i32_0 : i32, i32
  }
  func.func @transform_10(%arg0: i32) -> (i32, i32) {
    %c0_i32 = arith.constant 0 : i32
    %c0_i32_0 = arith.constant 0 : i32
    %c0_i32_1 = arith.constant 0 : i32
    return %c0_i32, %c0_i32_0 : i32, i32
  }
  func.func @transform_11(%arg0: i32) -> i32 {
    %c0_i32 = arith.constant 0 : i32
    return %arg0 : i32
  }
}

</mosaic_0001>

<sc_bundles>
// kernel: kernel.4.cloned.1.call-start
scs
__scs_entry_jumppad:
0x0: {  	(pc) =	sbr.rel $0x88, $3  }
0x1: {  	(tag) =	ssettag $0x0;
	lr =	simm.s32 $0x1  }
0x2: {  	[smem:$0x3F96] =	sst lr;
	_ =	strace $0xD0000000  }
0x3: {  	_ = 	snop  }
0x4: {  	_ = 	snop  }
0x5: {  	_ = 	snop  }
0x6: {  	_ = 	snop  }
0x7: {  	_ = 	snop  }
__scs_overlays_trampoline_lowered:
0x8: {  	[smem:$0x3FA5] =	sst s0  }
0x9: {  	[smem:$0x3FA6] =	sst s1  }
0xa: {  	[smem:$0x3FA7] =	sst s2  }
0xb: {  	[smem:$0x3FA8] =	sst s3  }
0xc: {  	[smem:$0x3FA9] =	sst s4  }
0xd: {  	[smem:$0x3FAA] =	sst s5  }
0xe: {  	[smem:$0x3FAB] =	sst s6  }
0xf: {  	[smem:$0x3FAC] =	sst s7  }
0x10: {  	[smem:$0x3FAD] =	sst s8  }
0x11: {  	[smem:$0x3FAE] =	sst s9;
	s0 =	simm.s32 @!p0 $0x0  }
0x12: {  	s1 =	sld [smem:$0x3F94];
	s0 =	simm.s32 @p0 $0x1  }
0x13: {  	[smem:$0x3FAF] =	sst s0;
	s0 =	simm.s32 @!p1 $0x0  }
0x14: {  	s2 =	sld [smem:$0x3F93];
	s0 =	simm.s32 @p1 $0x1  }
0x15: {  	[smem:$0x3FB0] =	sst s0;
	s0 =	simm.s32 @!p2 $0x0  }
0x16: {  	s3 =	sld [smem:$0x3FDB];
	s0 =	simm.s32 @p2 $0x1  }
0x17: {  	s4 =	simm.s32 $0x1BF5;
	[smem:$0x3FB2] =	sst s0  }
0x18: {  	s0 =	sld [smem:$0x3F95];
	_ =	swait.ge [sflag:s4], $0x0  }
0x19: {  	s7 =	sld [smem:$0x3F96]  }
0x1a: {  	s8 =	sadd.s32 $0xFFFFE003, lr  }
0x1b: {  	s9 =	sadd.s32 $0xFFFFFEF7, lr;
	s5 =	simm.s32 $0xFFFFFFFF;
	p2 =	slt.u32 s8, $0xFFFFF086  }
0x1c: {  	p1 =	slt.u32 s9, $0xF7A;
	s5 =	simm.s32 @!p2 $0x0  }
0x1d: {  	s5 =	simm.s32 @p1 $0x1;
	p0 =	seq.s32 s7, s2  }
0x1e: {  	s7 =	smul.u32 @!p0 $0xF7A, s2;
	p2 =	seq.s32 @!p0 s5, $0x0  }
0x1f: {  	s9 =	smul.u32 $0xF7A, s1;
	s8 =	simm.s32 @!p0 $0x1BF5;
	p2 =	por !p2, p0  }
0x20: {  	[sflag:s8] =	ssyncset.s32 @!p0 $0xFFFFF086;
	s6 =	sadd.s32 @!p0 s3, s7;
	s7 =	simm.s32 @!p0 $0x108  }
0x21: {  	s3 =	sadd.s32 s3, s9;
	s6 =	sadd.s32 @!p0 $0x88, s6;
	s7 =	simm.s32 @p2 $0x1082  }
0x22: {  	[simem:s7], [sflag:s8] =	dma.local @!p0 [hbm:s6], $0xF7A  }
0x23: {  	s9 =	sor.u32 $0xD0000000, s2;
	s6 =	simm.s32 $0x108;
	_ =	swait.ge @!p0 [sflag:s8], $0x0  }
0x24: {  	s3 =	sadd.s32 $0x88, s3;
	s6 =	simm.s32 @!p1 $0x1082;
	[sflag:s4] =	ssyncset.s32 $0xFFFFF086  }
0x25: {  	[simem:s6], [sflag:s4] =	dma.local [hbm:s3], $0xF7A  }
0x26: {  	[smem:$0x3F96] =	sst s1;
	(tag) =	ssettag s2;
	_ =	strace s9  }
0x27: {  	s1 =	sld [smem:$0x3FA6]  }
0x28: {  	s2 =	sld [smem:$0x3FA7]  }
0x29: {  	s4 =	sld [smem:$0x3FA9]  }
0x2a: {  	p0 =	seq.s32 s5, $0x0;
	s5 =	sld [smem:$0x3FAA]  }
0x2b: {  	s6 =	sld [smem:$0x3FAB]  }
0x2c: {  	s7 =	sld [smem:$0x3FAC]  }
0x2d: {  	s3 =	simm.s32 $0x108;
	s8 =	sld [smem:$0x3FAD]  }
0x2e: {  	s3 =	simm.s32 @!p0 $0x1082;
	s9 =	sld [smem:$0x3FAE]  }
0x2f: {  	lr =	sadd.s32 s0, s3;
	s0 =	sld [smem:$0x3FA5]  }
0x30: {  	s3 =	sld [smem:$0x3FA8]  }
0x31: {  	[smem:$0x3FB1] =	sst s10  }
0x32: {  	s10 =	sld [smem:$0x3FAF];
	_ =	sdelay $0x3  }
0x33: {  	p0 =	seq.s32 s10, $0x1;
	s10 =	sld [smem:$0x3FB1];
	_ =	sdelay $0x3  }
0x34: {  	[smem:$0x3FB1] =	sst s10  }
0x35: {  	s10 =	sld [smem:$0x3FB0];
	_ =	sdelay $0x3  }
0x36: {  	p1 =	seq.s32 s10, $0x1;
	s10 =	sld [smem:$0x3FB1];
	_ =	sdelay $0x3  }
0x37: {  	[smem:$0x3FB1] =	sst s10  }
0x38: {  	s10 =	sld [smem:$0x3FB2]  }
0x39: {  	_ = 	snop;
	(pc) =	sbr.ind lr, $3  }
0x3a: {  	_ = 	snop  }
0x3b: {  	_ = 	snop  }
0x3c: {  	p2 =	seq.s32 s10, $0x1;
	s10 =	sld [smem:$0x3FB1]  }
0x3d: {  	_ =	shalt  }
0x3e: {  	_ =	shalt  }
0x3f: {  	_ =	shalt  }
0x40: {  	_ =	shalt  }
0x41: {  	_ =	shalt  }
0x42: {  	_ =	shalt  }
0x43: {  	_ =	shalt  }
0x44: {  	_ =	shalt  }
0x45: {  	_ =	shalt  }
0x46: {  	_ =	shalt  }
0x47: {  	_ =	shalt  }
0x48: {  	_ =	shalt  }
0x49: {  	_ =	shalt  }
0x4a: {  	_ =	shalt  }
0x4b: {  	_ =	shalt  }
0x4c: {  	_ =	shalt  }
0x4d: {  	_ =	shalt  }
0x4e: {  	_ =	shalt  }
0x4f: {  	_ =	shalt  }
0x50: {  	_ =	shalt  }
0x51: {  	_ =	shalt  }
0x52: {  	_ =	shalt  }
0x53: {  	_ =	shalt  }
0x54: {  	_ =	shalt  }
0x55: {  	_ =	shalt  }
0x56: {  	_ =	shalt  }
0x57: {  	_ =	shalt  }
0x58: {  	_ =	shalt  }
0x59: {  	_ =	shalt  }
0x5a: {  	_ =	shalt  }
0x5b: {  	_ =	shalt  }
0x5c: {  	_ =	shalt  }
0x5d: {  	_ =	shalt  }
0x5e: {  	_ =	shalt  }
0x5f: {  	_ =	shalt  }
0x60: {  	_ =	shalt  }
0x61: {  	_ =	shalt  }
0x62: {  	_ =	shalt  }
0x63: {  	_ =	shalt  }
0x64: {  	_ =	shalt  }
0x65: {  	_ =	shalt  }
0x66: {  	_ =	shalt  }
0x67: {  	_ =	shalt  }
0x68: {  	_ =	shalt  }
0x69: {  	_ =	shalt  }
0x6a: {  	_ =	shalt  }
0x6b: {  	_ =	shalt  }
0x6c: {  	_ =	shalt  }
0x6d: {  	_ =	shalt  }
0x6e: {  	_ =	shalt  }
0x6f: {  	_ =	shalt  }
0x70: {  	_ =	shalt  }
0x71: {  	_ =	shalt  }
0x72: {  	_ =	shalt  }
0x73: {  	_ =	shalt  }
0x74: {  	_ =	shalt  }
0x75: {  	_ =	shalt  }
0x76: {  	_ =	shalt  }
0x77: {  	_ =	shalt  }
0x78: {  	_ =	shalt  }
0x79: {  	_ =	shalt  }
0x7a: {  	_ =	shalt  }
0x7b: {  	_ =	shalt  }
0x7c: {  	_ =	shalt  }
0x7d: {  	_ =	shalt  }
0x7e: {  	_ =	shalt  }
0x7f: {  	_ =	shalt  }
0x80: {  	_ =	shalt  }
0x81: {  	_ =	shalt  }
0x82: {  	_ =	shalt  }
0x83: {  	_ =	shalt  }
0x84: {  	_ =	shalt  }
0x85: {  	_ =	shalt  }
0x86: {  	_ =	shalt  }
0x87: {  	_ =	shalt  }
.Lfunc_end0:
.L_simem_size_0:
called_computation_lowered:
.L_overlay_start_0:
0x88: {  	s2 =	sld [smem:$0x3FD9]  }
0x89: {  	s3 =	sld [smem:$0x3FFE];
	_ =	sdelay $0x1  }
0x8a: {  	s1 =	srdreg.scid  }
0x8b: {  	s0 =	sand.u32 $0x1, s1  }
0x8c: {  	s17 =	sshll.u32 s0, $0xA;
	s2 =	sadd.s32 s3, s2  }
0x8d: {  	s2 =	sadd.s32 s2, s17  }
0x8e: {  	[smem:$0x3FBD] =	sst s2  }
0x8f: {  	_ = 	snop  }
0x90: {  	s2 =	sld [smem:$0x3FC7];
	(tm) =	ssettm $0x1  }
0x91: {  	s18 =	sld [smem:$0x3FFB];
	_ =	sdelay $0x3  }
0x92: {  	_ =	strace s18  }
0x93: {  	s3 =	sld [smem:$0x3FFC];
	_ =	sdelay $0x3  }
0x94: {  	_ =	strace s3  }
0x95: {  	s3 =	sld [smem:$0x3FFD];
	_ =	sdelay $0x3  }
0x96: {  	_ =	strace s3  }
0x97: {  	_ =	strace $0x8FFFFFFF  }
0x98: {  	s19 =	sld [smem:$0x3FDB];
	_ =	sdelay $0x1  }
0x99: {  	s4 =	simm.s32 $_scs_section_size  }
0x9a: {  	s5 =	simm.s32 $_size__tile_overlayer_lowered;
	s6 =	simm.s32 $_tile_overlayer_lowered  }
0x9b: {  	s22 =	simm.s32 $0x1BFF;
	s21 =	sshll.u32 s6, $0x1;
	s3 =	sadd.s32 s4, s19  }
0x9c: {  	s7 =	simm.s32 $0x0;
	s20 =	sshll.u32 s5, $0x1;
	s5 =	sadd.s32 s21, s3  }
0x9d: {  	[timem:s7], [sflag:s22] =	dma.local [hbm:s5], s20  }
0x9e: {  	_ =	swait.ge [sflag:s22], s20  }
0x9f: {  	s4 =	ssub.s32 $0x0, s20;
	[sflag:s22] =	ssyncset.done $0x0  }
0xa0: {  	[sflag:s22] =	ssyncadd.s32 s4;
	_ =	sdelay $0x1  }
0xa1: {  	s23 =	simm.s32 $0x1B8B  }
0xa2: {  	_ =	swait.ge [sflag:s23], $0x1  }
0xa3: {  	[sflag:s23] =	ssyncset.done $0x0  }
0xa4: {  	s25 =	simm.s32 $0x1B8E;
	s24 =	sld [smem:$0x3FFE];
	[sflag:s23] =	ssyncadd.s32 $0xFFFFFFFF  }
0xa5: {  	s26 =	simm.s32 $execute0_lowered;
	[smem:$0x3FD2] =	sst s25  }
0xa6: {  	s5 =	sshll.u32 s26, $0x1;
	_ =	strace $0x80000046;
	[dreg:$0x1] =	wrdreg $0xFFFFFFFF  }
0xa7: {  	s28 =	simm.s32 $_size_execute0_lowered;
	s3 =	sadd.s32 s3, s5;
	[dreg:$0x0] =	wrdreg $0x0  }
0xa8: {  	s5 =	sshll.u32 s28, $0x1;
	[dreg:$0x2] =	wrdreg s3  }
0xa9: {  	[dreg:$0x3] =	wrdreg s5  }
0xaa: {  	[dreg:$0x4] =	wrdreg $0xC0  }
0xab: {  	_ =	task [dreg:s7], $0x5FFFF  }
0xac: {  	[dreg:$0x1] =	wrdreg $0xFFFFFFFF  }
0xad: {  	[dreg:$0x0] =	wrdreg $0x60  }
0xae: {  	[dreg:$0x2] =	wrdreg s2  }
0xaf: {  	[dreg:$0x3] =	wrdreg s24  }
0xb0: {  	[dreg:$0x4] =	wrdreg $0x9  }
0xb1: {  	_ =	task.clear_ibuf [dreg:s7], $0x5FFFF;
	_ =	strace $0x90000046  }
0xb2: {  	s29 =	simm.s32 $0x9;
	_ =	strace $0x80000048  }
0xb3: {  	_ =	swait.ge [sflag:s29], $0x1  }
0xb4: {  	[sflag:s29] =	ssyncadd.s32 $0xFFFFFFFF  }
0xb5: {  	_ =	strace $0x90000048  }
0xb6: {  	_ =	sfence  }
0xb7: {  	s30 =	sld [smem:$0x0];
	_ =	sdelay $0x2  }
0xb8: {  	s31 =	sshll.u32 s1, $0xD;
	s1 =	sshrl.u32 s1, $0x2  }
0xb9: {  	s3 =	sand.u32 $0x4000, s31;
	s1 =	sadd.s32 s1, s30  }
0xba: {  	s0 =	sor.u32 s3, s0;
	s1 =	sshll.u32 s1, $0x11  }
0xbb: {  	s0 =	sor.u32 s1, s0  }
0xbc: {  	s0 =	sadd.s32 $0x8F2B, s0  }
0xbd: {  	[sflag:s0] =	ssyncadd.remote.s32 $0x1  }
0xbe: {  	_ =	sfence.sel $0xFFFF  }
0xbf: {  	[dreg:$0x0] =	wrdreg $0xFFFFFFFF;
	(pc) =	sbr.abs _section_cstart, $3  }
0xc0: {  	[dreg:$0x1] =	wrdreg $0xFFFFFFFF  }
0xc1: {  	_ =	task.clear_ibuf [dreg:s7], $0x2FFFF;
	_ =	strace $0x9FFFFFFF  }
0xc2: {  	(tm) =	ssettm $0x7FFFFFFF  }
0xc3: {  	_ =	shalt  }
tec
execute0_lowered:
.L_overlay_start_1:
0x0: {  	(tag) =	ssettag $0x1  }
0x1: {  	s2 =	rddreg [dreg:$0x0]  }
0x2: {  	s0 =	rddreg [dreg:$0x1]  }
0x3: {  	s1 =	srdreg.scid;
	s7 =	stileid.u32  }
0x4: {  	s4 =	simm.s32 $0x0;
	s16 =	simm.s32 $0x5;
	s17 =	simm.s32 $0x80  }
0x5: {  	s18 =	simm.s32 $0x1000;
	s19 =	simm.s32 $0x5000;
	s21 =	simm.s32 $0x9000  }
0x6: {  	s28 =	simm.s32 $0x2;
	s29 =	simm.s32 $0x3;
	s30 =	simm.s32 $0x4  }
0x7: {  	s1 =	sand.u32 $0x1, s1;
	s3 =	sshll.u32 s7, $0x1;
	[smem:$0x7FF] =	sst s4  }
0x8: {  	s10 =	smul.u32 $0xD0000, s7;
	s3 =	sor.u32 s1, s3;
	_ =	strace $0x80000047  }
0x9: {  	s5 =	ssub.s32 $0x2, s1;
	s1 =	smul.u32 $0x68000, s1;
	s22 =	sshll.u32 s3, $0x9  }
0xa: {  	s6 =	sshrl.u32 s5, $0x1;
	s3 =	smul.u32 $0xD000, s3;
	s4 =	sadd.s32 s22, s0  }
0xb: {  	s0 =	sadd.s32 $0x4A00, s0;
	s11 =	ssub.s32 s5, s6;
	s1 =	sadd.s32 s1, s10  }
0xc: {  	s4 =	sadd.s32 $0xA00, s4;
	s3 =	sadd.s32 s3, s0;
	s11 =	smax.u32 s11, $0x1  }
0xd: {  	s24 =	sor.u32 $0xC00, s1;
	s25 =	sor.u32 $0x800, s1;
	s13 =	sor.u32 $0x400, s1  }
0xe: {  	s1 =	sshrl.u32 s1, $0x3;
	[dreg:$0x3] =	wrdreg s4;
	s23 =	sadd.s32 $0xA00, s3  }
0xf: {  	s6 =	sadd.s32 $0xA80, s3;
	s7 =	sadd.s32 $0xB00, s3;
	s8 =	sadd.s32 $0xB80, s3  }
0x10: {  	s9 =	sadd.s32 $0xC00, s3;
	s10 =	sadd.s32 $0xC80, s3;
	s3 =	sshrl.u32 s24, $0x3  }
0x11: {  	s26 =	sshrl.u32 s25, $0x3;
	s31 =	sshrl.u32 s13, $0x3;
	s15 =	sadd.s32 s1, s0  }
0x12: {  	s24 =	simm.s32 $0x1;
	s25 =	simm.s32 $0x400;
	s1 =	simm.s32 $0x0  }
0x13: {  	[dreg:$0x4] =	wrdreg s23;
	s12 =	sadd.s32 s3, s0;
	s13 =	sadd.s32 s26, s0  }
0x14: {  	s14 =	sadd.s32 s31, s0;
	s23 =	simm.s32 $0xD000;
	s26 =	simm.s32 $0x6800  }
.LBB2_1:
0x15: {  	s0 =	simm.s32 $0x0;
	s3 =	rddreg [dreg:$0x3]  }
0x16: {  	[tilespmem:s0], [sflag:$0x5] =	stream.linear.gather [hbm4b:s3+s0], $0xD00, $0x38;
	[tilespmem:$0x11000] =	vst v63  }
0x17: {  	_ =	swait.ge [sflag:s16], $0xD00  }
0x18: {  	[sflag:s16] =	ssyncset.done $0x0  }
0x19: {  	[sflag:s16] =	ssyncadd.s32 $0xFFFFF300  }
0x1a: {  	[tilespmem:s18], [sflag:$0x1] =	stream.indirect.gather [hbm4b:s2+s17], $0x80, s0, s17, $0xb8;
	[tilespmem:$0x11000] =	vst v63  }
0x1b: {  	_ = 	snop  }
0x1c: {  	[tilespmem:s19], [sflag:$0x2] =	stream.indirect.gather [hbm4b:s2+s17], $0x80, s17, s17, $0xb8;
	[tilespmem:$0x11000] =	vst v63  }
0x1d: {  	s3 =	simm.s32 $0x100  }
0x1e: {  	[tilespmem:s21], [sflag:$0x3] =	stream.indirect.gather [hbm4b:s2+s17], $0x80, s3, s17, $0xb8;
	[tilespmem:$0x11000] =	vst v63  }
0x1f: {  	s4 =	simm.s32 $0x180  }
0x20: {  	[tilespmem:s23], [sflag:$0x4] =	stream.indirect.gather [hbm4b:s2+s17], $0x80, s4, s17, $0xb8;
	[tilespmem:$0x11000] =	vst v63  }
0x21: {  	_ =	swait.ge [sflag:s24], $0x4000  }
0x22: {  	[sflag:s24] =	ssyncset.done $0x0  }
0x23: {  	[sflag:s24] =	ssyncadd.s32 $0xFFFFC000  }
0x24: {  	[hbm4b:s15+s25] =	stream.strided.scatter [tilespmem:s18], [sflag:$0x5], $0x4000, s26, s25, $0x38;
	[tilespmem:$0x11000] =	vst v63  }
0x25: {  	_ =	swait.ge [sflag:s16], $0x4000  }
0x26: {  	[sflag:s16] =	ssyncset.done $0x0  }
0x27: {  	s5 =	simm.s32 $0x200;
	[sflag:s16] =	ssyncadd.s32 $0xFFFFC000  }
0x28: {  	[tilespmem:s18], [sflag:$0x1] =	stream.indirect.gather [hbm4b:s2+s17], $0x80, s5, s17, $0xb8;
	[tilespmem:$0x11000] =	vst v63  }
0x29: {  	_ =	swait.ge [sflag:s28], $0x4000  }
0x2a: {  	[sflag:s28] =	ssyncset.done $0x0  }
0x2b: {  	[sflag:s28] =	ssyncadd.s32 $0xFFFFC000  }
0x2c: {  	[hbm4b:s14+s25] =	stream.strided.scatter [tilespmem:s19], [sflag:$0x5], $0x4000, s26, s25, $0x38;
	[tilespmem:$0x11000] =	vst v63  }
0x2d: {  	_ =	swait.ge [sflag:s16], $0x4000  }
0x2e: {  	[sflag:s16] =	ssyncset.done $0x0  }
0x2f: {  	s20 =	simm.s32 $0x280;
	[sflag:s16] =	ssyncadd.s32 $0xFFFFC000  }
0x30: {  	[tilespmem:s19], [sflag:$0x2] =	stream.indirect.gather [hbm4b:s2+s17], $0x80, s20, s17, $0xb8;
	[tilespmem:$0x11000] =	vst v63  }
0x31: {  	_ =	swait.ge [sflag:s29], $0x4000  }
0x32: {  	[sflag:s29] =	ssyncset.done $0x0  }
0x33: {  	[sflag:s29] =	ssyncadd.s32 $0xFFFFC000  }
0x34: {  	[hbm4b:s13+s25] =	stream.strided.scatter [tilespmem:s21], [sflag:$0x5], $0x4000, s26, s25, $0x38;
	[tilespmem:$0x11000] =	vst v63  }
0x35: {  	_ =	swait.ge [sflag:s16], $0x4000  }
0x36: {  	[sflag:s16] =	ssyncset.done $0x0  }
0x37: {  	s22 =	simm.s32 $0x300;
	[sflag:s16] =	ssyncadd.s32 $0xFFFFC000  }
0x38: {  	[tilespmem:s21], [sflag:$0x3] =	stream.indirect.gather [hbm4b:s2+s17], $0x80, s22, s17, $0xb8;
	[tilespmem:$0x11000] =	vst v63  }
0x39: {  	_ =	swait.ge [sflag:s30], $0x4000  }
0x3a: {  	[sflag:s30] =	ssyncset.done $0x0  }
0x3b: {  	[sflag:s30] =	ssyncadd.s32 $0xFFFFC000  }
0x3c: {  	[hbm4b:s12+s25] =	stream.strided.scatter [tilespmem:s23], [sflag:$0x5], $0x4000, s26, s25, $0x38;
	[tilespmem:$0x11000] =	vst v63  }
0x3d: {  	s31 =	sadd.s32 $0x200, s13;
	s0 =	sadd.s32 $0x200, s14;
	_ =	swait.ge [sflag:s16], $0x4000  }
0x3e: {  	s3 =	sadd.s32 $0x200, s12;
	s4 =	simm.s32 $0x380;
	[sflag:s16] =	ssyncset.done $0x0  }
0x3f: {  	s20 =	simm.s32 $0x800;
	s22 =	sadd.s32 $0x200, s15;
	[sflag:s16] =	ssyncadd.s32 $0xFFFFC000  }
.LBB2_2:
0x40: {  	[tilespmem:s23], [sflag:$0x4] =	stream.indirect.gather [hbm4b:s2+s17], $0x80, s4, s17, $0xb8;
	[tilespmem:$0x11000] =	vst v63  }
0x41: {  	s4 =	smov.u32 s20  }
0x42: {  	p0 =	sne.s32 s20, $0x2000;
	s20 =	sadd.s32 $0x800, s20;
	_ =	swait.ge [sflag:s24], $0x4000  }
0x43: {  	[sflag:s24] =	ssyncset.done $0x0  }
0x44: {  	[sflag:s24] =	ssyncadd.s32 $0xFFFFC000  }
0x45: {  	[hbm4b:s22+s25] =	stream.strided.scatter [tilespmem:s18], [sflag:$0x5], $0x4000, s26, s25, $0x38;
	[tilespmem:$0x11000] =	vst v63  }
0x46: {  	_ =	swait.ge [sflag:s16], $0x4000  }
0x47: {  	s4 =	sshra.s32 s4, $0x2;
	[sflag:s16] =	ssyncset.done $0x0  }
0x48: {  	s5 =	sadd.s32 $0x200, s4;
	[sflag:s16] =	ssyncadd.s32 $0xFFFFC000  }
0x49: {  	[tilespmem:s18], [sflag:$0x1] =	stream.indirect.gather [hbm4b:s2+s17], $0x80, s5, s17, $0xb8;
	[tilespmem:$0x11000] =	vst v63  }
0x4a: {  	_ =	swait.ge [sflag:s28], $0x4000  }
0x4b: {  	[sflag:s28] =	ssyncset.done $0x0  }
0x4c: {  	[sflag:s28] =	ssyncadd.s32 $0xFFFFC000  }
0x4d: {  	[hbm4b:s0+s25] =	stream.strided.scatter [tilespmem:s19], [sflag:$0x5], $0x4000, s26, s25, $0x38;
	[tilespmem:$0x11000] =	vst v63  }
0x4e: {  	_ =	swait.ge [sflag:s16], $0x4000  }
0x4f: {  	[sflag:s16] =	ssyncset.done $0x0  }
0x50: {  	s5 =	sadd.s32 $0x280, s4;
	[sflag:s16] =	ssyncadd.s32 $0xFFFFC000  }
0x51: {  	[tilespmem:s19], [sflag:$0x2] =	stream.indirect.gather [hbm4b:s2+s17], $0x80, s5, s17, $0xb8;
	[tilespmem:$0x11000] =	vst v63  }
0x52: {  	_ =	swait.ge [sflag:s29], $0x4000  }
0x53: {  	[sflag:s29] =	ssyncset.done $0x0  }
0x54: {  	[sflag:s29] =	ssyncadd.s32 $0xFFFFC000  }
0x55: {  	[hbm4b:s31+s25] =	stream.strided.scatter [tilespmem:s21], [sflag:$0x5], $0x4000, s26, s25, $0x38;
	[tilespmem:$0x11000] =	vst v63  }
0x56: {  	_ =	swait.ge [sflag:s16], $0x4000  }
0x57: {  	[sflag:s16] =	ssyncset.done $0x0  }
0x58: {  	s5 =	sadd.s32 $0x300, s4;
	[sflag:s16] =	ssyncadd.s32 $0xFFFFC000  }
0x59: {  	[tilespmem:s21], [sflag:$0x3] =	stream.indirect.gather [hbm4b:s2+s17], $0x80, s5, s17, $0xb8;
	[tilespmem:$0x11000] =	vst v63  }
0x5a: {  	_ =	swait.ge [sflag:s30], $0x4000  }
0x5b: {  	[sflag:s30] =	ssyncset.done $0x0  }
.Ltmp0:
0x5c: {  	[sflag:s30] =	ssyncadd.s32 $0xFFFFC000;
	(pc) =	sbr.rel @p0 .LBB2_2-.Ltmp0, $4  }
0x5d: {  	[hbm4b:s3+s25] =	stream.strided.scatter [tilespmem:s23], [sflag:$0x5], $0x4000, s26, s25, $0x38;
	[tilespmem:$0x11000] =	vst v63  }
0x5e: {  	s22 =	sadd.s32 $0x200, s22;
	_ =	swait.ge [sflag:s16], $0x4000  }
0x5f: {  	s0 =	sadd.s32 $0x200, s0;
	s31 =	sadd.s32 $0x200, s31;
	[sflag:s16] =	ssyncset.done $0x0  }
0x60: {  	s4 =	sadd.s32 $0x380, s4;
	s3 =	sadd.s32 $0x200, s3;
	[sflag:s16] =	ssyncadd.s32 $0xFFFFC000  }
0x61: {  	[tilespmem:s23], [sflag:$0x4] =	stream.indirect.gather [hbm4b:s2+s17], $0x80, s4, s17, $0xb8;
	[tilespmem:$0x11000] =	vst v63  }
0x62: {  	_ =	swait.ge [sflag:s24], $0x4000  }
0x63: {  	[sflag:s24] =	ssyncset.done $0x0  }
0x64: {  	s0 =	rddreg [dreg:$0x4];
	[sflag:s24] =	ssyncadd.s32 $0xFFFFC000  }
0x65: {  	[hbm4b:s0+s25] =	stream.strided.scatter [tilespmem:s18], [sflag:$0x5], $0x4000, s26, s25, $0x38;
	[tilespmem:$0x11000] =	vst v63  }
0x66: {  	_ =	swait.ge [sflag:s16], $0x4000  }
0x67: {  	[sflag:s16] =	ssyncset.done $0x0  }
0x68: {  	s22 =	simm.s32 $0xC00;
	[sflag:s16] =	ssyncadd.s32 $0xFFFFC000  }
0x69: {  	[tilespmem:s18], [sflag:$0x1] =	stream.indirect.gather [hbm4b:s2+s17], $0x80, s22, s17, $0xb8;
	[tilespmem:$0x11000] =	vst v63  }
0x6a: {  	_ =	swait.ge [sflag:s28], $0x4000  }
0x6b: {  	[sflag:s28] =	ssyncset.done $0x0  }
0x6c: {  	[sflag:s28] =	ssyncadd.s32 $0xFFFFC000  }
0x6d: {  	[hbm4b:s6+s25] =	stream.strided.scatter [tilespmem:s19], [sflag:$0x5], $0x4000, s26, s25, $0x38;
	[tilespmem:$0x11000] =	vst v63  }
0x6e: {  	_ =	swait.ge [sflag:s16], $0x4000  }
0x6f: {  	[sflag:s16] =	ssyncset.done $0x0  }
0x70: {  	s31 =	simm.s32 $0xC80;
	[sflag:s16] =	ssyncadd.s32 $0xFFFFC000  }
0x71: {  	[tilespmem:s19], [sflag:$0x2] =	stream.indirect.gather [hbm4b:s2+s17], $0x80, s31, s17, $0xb8;
	[tilespmem:$0x11000] =	vst v63  }
0x72: {  	_ =	swait.ge [sflag:s29], $0x4000  }
0x73: {  	[sflag:s29] =	ssyncset.done $0x0  }
0x74: {  	[sflag:s29] =	ssyncadd.s32 $0xFFFFC000  }
0x75: {  	[hbm4b:s7+s25] =	stream.strided.scatter [tilespmem:s21], [sflag:$0x5], $0x4000, s26, s25, $0x38;
	[tilespmem:$0x11000] =	vst v63  }
0x76: {  	_ =	swait.ge [sflag:s16], $0x4000  }
0x77: {  	[sflag:s16] =	ssyncset.done $0x0  }
0x78: {  	[sflag:s16] =	ssyncadd.s32 $0xFFFFC000  }
0x79: {  	_ =	swait.ge [sflag:s30], $0x4000  }
0x7a: {  	[sflag:s30] =	ssyncset.done $0x0  }
0x7b: {  	[sflag:s30] =	ssyncadd.s32 $0xFFFFC000  }
0x7c: {  	[hbm4b:s8+s25] =	stream.strided.scatter [tilespmem:s23], [sflag:$0x5], $0x4000, s26, s25, $0x38;
	[tilespmem:$0x11000] =	vst v63  }
0x7d: {  	_ =	swait.ge [sflag:s16], $0x4000  }
0x7e: {  	[sflag:s16] =	ssyncset.done $0x0  }
0x7f: {  	[sflag:s16] =	ssyncadd.s32 $0xFFFFC000  }
0x80: {  	_ =	swait.ge [sflag:s24], $0x4000  }
0x81: {  	[sflag:s24] =	ssyncset.done $0x0  }
0x82: {  	[sflag:s24] =	ssyncadd.s32 $0xFFFFC000  }
0x83: {  	[hbm4b:s9+s25] =	stream.strided.scatter [tilespmem:s18], [sflag:$0x5], $0x4000, s26, s25, $0x38;
	[tilespmem:$0x11000] =	vst v63  }
0x84: {  	_ =	swait.ge [sflag:s16], $0x4000  }
0x85: {  	[sflag:s16] =	ssyncset.done $0x0  }
0x86: {  	[sflag:s16] =	ssyncadd.s32 $0xFFFFC000  }
0x87: {  	s1 =	sadd.s32 $0x1, s1;
	_ =	swait.ge [sflag:s28], $0x4000  }
0x88: {  	p0 =	sne.s32 s1, s11;
	[sflag:s28] =	ssyncset.done $0x0  }
.Ltmp1:
0x89: {  	[sflag:s28] =	ssyncadd.s32 $0xFFFFC000;
	(pc) =	sbr.rel @p0 .LBB2_1-.Ltmp1, $4  }
0x8a: {  	[hbm4b:s10+s25] =	stream.strided.scatter [tilespmem:s19], [sflag:$0x5], $0x4000, s26, s25, $0x38;
	[tilespmem:$0x11000] =	vst v63  }
0x8b: {  	_ =	swait.ge [sflag:s16], $0x4000  }
0x8c: {  	[sflag:s16] =	ssyncset.done $0x0  }
0x8d: {  	[sflag:s16] =	ssyncadd.s32 $0xFFFFC000  }
0x8e: {  	_ =	sfence.sel $0x180000  }
0x8f: {  	[bflag:$0x0] =	sbarrier.arrive $0xFFFF  }
0x90: {  	_ =	strace $0x90000047  }
0x91: {  	s0 =	stileid.u32;
	[bflag:$0x2] =	sbarrier.arrive $0xFFFF  }
0x92: {  	p0 =	sne.s32 s0, $0x0;
	s0 =	rddreg [dreg:$0x2]  }
0x93: {  	s0 =	sadd.s32 @!p0 $0x100000, s0  }
0x94: {  	[sflag:s0] =	ssyncadd.tile.s32 @!p0 $0x1;
	_ =	shalt  }
.Lfunc_end2:
_tile_overlayer_lowered:
.L_overlay_start_2:
0x95: {  	(tag) =	ssettag $0x2  }
0x96: {  	s0 =	rddreg [dreg:$0x0];
	s2 =	stileid.u32  }
0x97: {  	s1 =	rddreg [dreg:$0x1];
	p0 =	sne.s32 s2, $0x0  }
0x98: {  	s3 =	rddreg [dreg:$0x2];
	[bflag:$0x3] =	sbarrier.arrive $0xFFFF;
	s2 =	simm.s32 @!p0 $0x1C05  }
0x99: {  	[timem:s3], [sflag:s2] =	dma.local @!p0 [hbm:s0], s1  }
0x9a: {  	s0 =	simm.s32 @!p0 $0x5  }
0x9b: {  	_ =	swait.ge @!p0 [sflag:s0], s1  }
0x9c: {  	s1 =	ssub.s32 @!p0 $0x0, s1;
	[sflag:s0] =	ssyncset.done @!p0 $0x0  }
0x9d: {  	[sflag:s0] =	ssyncadd.s32 @!p0 s1  }
0x9e: {  	[bflag:$0x3] =	sbarrier.arrive $0xFFFF  }
0x9f: {  	_ =	shalt  }

</sc_bundles>
